<compile_context>
chip_gen: v7x
topology: tpu7x:2x2x1
jax: 0.10.2.dev20260603
libtpu: 0.0.44.dev20260713+nightly
codegen_flags: <defaults>
</compile_context>

<pallas_src>
import functools

import jax
import jax.numpy as jnp
from jax import lax
from jax.experimental import pallas as pl
from jax.experimental.pallas import tpu as pltpu
from jax.experimental.pallas import tpu_sc as plsc

B, F, V, D = 16384, 26, 100000, 16
T = F * D
NW = 32
CH = 1024
NCB = B // CH

FPLAN = (10, 8, 8)

BT = 1024


def _sc_gather_body(tpc, tableT, xT, out, idx_v, rows_v, gsem):
    wid = lax.axis_index("s") * 2 + lax.axis_index("c")

    @pl.loop(0, tpc)
    def _task(j):
        t = wid * tpc + j
        f = t >> 4
        c = t & (NCB - 1)
        pltpu.sync_copy(xT.at[f, pl.ds(c * CH, CH)], idx_v)
        copies = [
            pltpu.async_copy(tableT.at[f, d].at[idx_v], rows_v.at[d], gsem)
            for d in range(D)
        ]
        for cp in copies:
            cp.wait()
        pltpu.sync_copy(rows_v, out.at[pl.ds(f * D, D), pl.ds(c * CH, CH)])


@functools.partial(jax.jit, static_argnums=0)
def _sc_gather(fch, tableT, xT):
    mesh = plsc.VectorSubcoreMesh(core_axis_name="c", subcore_axis_name="s")
    tpc = fch * NCB // NW
    k = functools.partial(
        pl.kernel,
        mesh=mesh,
        out_type=jax.ShapeDtypeStruct((fch * D, B), jnp.float32),
        name="sc_gather",
        scratch_types=[
            pltpu.VMEM((CH,), jnp.int32),
            pltpu.VMEM((D, CH), jnp.float32),
            pltpu.SemaphoreType.DMA,
        ],
        compiler_params=pltpu.CompilerParams(use_tc_tiling_on_sc=False),
    )(functools.partial(_sc_gather_body, tpc))
    return k(tableT, xT)


def _tc_body(hT_ref, W1T_ref, b1_ref, W2T_ref, b2_ref, Wfm_ref, WsmT_ref,
             consts_ref, out_ref):
    hT = hT_ref[...]
    dn = (((1,), (0,)), ((), ()))
    m1 = jnp.maximum(
        lax.dot_general(W1T_ref[...], hT, dn,
                        preferred_element_type=jnp.float32)
        + b1_ref[...], 0.0)
    ss = lax.dot_general(WsmT_ref[...], hT, dn,
                         preferred_element_type=jnp.float32)
    cv = consts_ref[...]
    probs = []
    for t in range(3):
        m1t = m1[t * 256:(t + 1) * 256, :]
        m2 = jnp.maximum(
            lax.dot_general(W2T_ref[t], m1t, dn,
                            preferred_element_type=jnp.float32)
            + b2_ref[t][:, None], 0.0)
        s = jnp.sum(m2 * Wfm_ref[t][:, None], axis=0, keepdims=True)
        a = ss[2 * t:2 * t + 1, :]
        c = ss[2 * t + 1:2 * t + 2, :]
        logit = a * c + c + s + cv[0, t]
        probs.append(jax.nn.sigmoid(logit))
    cvr, cf, ctr = probs
    ctcvr = cvr * ctr
    res = jnp.concatenate([cvr, cf, ctr, ctcvr], axis=0)
    out_ref[...] = jnp.clip(res, 1e-15, 1.0 - 1e-15)


@jax.jit
def _tc_dense(hT, W1T, b1all, W2T, b2all, Wfm, WsmT, consts):
    full = lambda shape: pl.BlockSpec(shape, lambda i: (0,) * len(shape))
    return pl.pallas_call(
        _tc_body,
        grid=(B // BT,),
        in_specs=[
            pl.BlockSpec((T, BT), lambda i: (0, i)),
            full((768, T)),
            full((768, 1)),
            full((3, 128, 256)),
            full((3, 128)),
            full((3, 128)),
            full((8, T)),
            full((1, 8)),
        ],
        out_specs=pl.BlockSpec((4, BT), lambda i: (0, i)),
        out_shape=jax.ShapeDtypeStruct((4, B), jnp.float32),
        compiler_params=pltpu.CompilerParams(
            dimension_semantics=("parallel",)),
    )(hT, W1T, b1all, W2T, b2all, Wfm, WsmT, consts)


def kernel(x, emb_tables,
           cvr_wc, cvr_bc, cvr_W1, cvr_b1, cvr_W2, cvr_b2, cvr_Wf, cvr_bf,
           cf_wc, cf_bc, cf_W1, cf_b1, cf_W2, cf_b2, cf_Wf, cf_bf,
           ctr_wc, ctr_bc, ctr_W1, ctr_b1, ctr_W2, ctr_b2, ctr_Wf, ctr_bf):
    xT = x.astype(jnp.int32).T

    W1T = jnp.concatenate([cvr_W1, cf_W1, ctr_W1], axis=1).T
    b1all = jnp.concatenate([cvr_b1, cf_b1, ctr_b1]).reshape(768, 1)
    W2T = jnp.stack([cvr_W2.T, cf_W2.T, ctr_W2.T])
    b2all = jnp.stack([cvr_b2, cf_b2, ctr_b2])
    Wfm = jnp.stack([cvr_Wf[T:, 0], cf_Wf[T:, 0], ctr_Wf[T:, 0]])
    zcol = jnp.zeros((T, 1), jnp.float32)
    WsmT = jnp.concatenate(
        [cvr_wc, cvr_Wf[:T], cf_wc, cf_Wf[:T], ctr_wc, ctr_Wf[:T],
         zcol, zcol], axis=1).T
    consts = jnp.stack(
        [jnp.dot(cvr_bc, cvr_Wf[:T, 0]) + cvr_bf[0],
         jnp.dot(cf_bc, cf_Wf[:T, 0]) + cf_bf[0],
         jnp.dot(ctr_bc, ctr_Wf[:T, 0]) + ctr_bf[0],
         jnp.float32(0), jnp.float32(0), jnp.float32(0),
         jnp.float32(0), jnp.float32(0)]).reshape(1, 8)

    hT_parts = []
    f0 = 0
    for fch in FPLAN:
        hT_parts.append(
            _sc_gather(fch, emb_tables[f0:f0 + fch].transpose(0, 2, 1),
                       xT[f0:f0 + fch]))
        f0 += fch
    hT = jnp.concatenate(hT_parts, axis=0)

    outT = _tc_dense(hT, W1T, b1all, W2T, b2all, Wfm, WsmT, consts)
    return outT.T

# --- scband reference (transcript-rebuilt; emitter-appended) ---
"""Pipeline reference for scband-dcn4-dcmt-31808527794921 (READ-ONLY COPY).

The authoritative reference and input builder live on the scoring server;
editing this copy changes nothing except your own understanding.
"""

import jax, jax.numpy as jnp
import numpy as np

B, F, V, D = 16384, 26, 100000, 16
T = F * D

def _tower(h, wc, bc, W1, b1, W2, b2, Wf, bf):
    xw = h @ wc
    cn = h * xw + bc + h
    m = jax.nn.relu(h @ W1 + b1)
    m = jax.nn.relu(m @ W2 + b2)
    cat = jnp.concatenate([cn, m], axis=1)
    return jax.nn.sigmoid(cat @ Wf + bf)

def _tower_params(key):
    shapes = [(T, 1), (T,), (T, 256), (256,), (256, 128), (128,), (T + 128, 1), (1,)]
    return [jax.random.normal(jax.random.fold_in(key, i), s, dtype=jnp.float32) * 0.05 for i, s in enumerate(shapes)]

def setup_inputs(seed: int = 0):
    key = jax.random.key(seed)
    inp = {}
    inp['x'] = jax.random.randint(jax.random.fold_in(key, 0), (B, F), 0, V)
    inp['emb_tables'] = jax.random.normal(jax.random.fold_in(key, 1), (F, V, D), dtype=jnp.float32) * 0.05
    names = ['wc', 'bc', 'W1', 'b1', 'W2', 'b2', 'Wf', 'bf']
    for j, t in enumerate(['cvr', 'cf', 'ctr']):
        ps = _tower_params(jax.random.fold_in(key, 10 + j))
        for n, p in zip(names, ps):
            inp[t + '_' + n] = p
    return inp

def reference(x, emb_tables, cvr_wc, cvr_bc, cvr_W1, cvr_b1, cvr_W2, cvr_b2, cvr_Wf, cvr_bf, cf_wc, cf_bc, cf_W1, cf_b1, cf_W2, cf_b2, cf_Wf, cf_bf, ctr_wc, ctr_bc, ctr_W1, ctr_b1, ctr_W2, ctr_b2, ctr_Wf, ctr_bf):
    nB = x.shape[0]
    nF = emb_tables.shape[0]
    emb = emb_tables[jnp.arange(nF)[None, :], x]
    h = emb.reshape(nB, -1)
    cvr = _tower(h, cvr_wc, cvr_bc, cvr_W1, cvr_b1, cvr_W2, cvr_b2, cvr_Wf, cvr_bf)
    cf = _tower(h, cf_wc, cf_bc, cf_W1, cf_b1, cf_W2, cf_b2, cf_Wf, cf_bf)
    ctr = _tower(h, ctr_wc, ctr_bc, ctr_W1, ctr_b1, ctr_W2, ctr_b2, ctr_Wf, ctr_bf)
    ctcvr = cvr * ctr
    c = lambda t: jnp.clip(t, 1e-15, 1.0 - 1e-15)
    return jnp.concatenate([c(cvr), c(cf), c(ctr), c(ctcvr)], axis=1)

if __name__ == "__main__":
    import jax
    _d = setup_inputs()
    print(jax.jit(kernel)(*tuple(_d.values())))

</pallas_src>

<mosaic_0001>
#map = affine_map<(d0, d1) -> (0, 0, 0)>
#map1 = affine_map<(d0, d1) -> (0, 0)>
module attributes {stable_mosaic.version = 14 : i64} {
  func.func @sc_gather(%arg0: i32, %arg1: i32, %arg2: memref<10x16x100000xf32, #tpu.memory_space<hbm>>, %arg3: memref<10x16384xi32, #tpu.memory_space<hbm>>, %arg4: memref<160x16384xf32, #tpu.memory_space<hbm>>, %arg5: memref<1024xi32, #tpu.memory_space<vmem>>, %arg6: memref<16x1024xf32, #tpu.memory_space<vmem>>, %arg7: memref<!tpu.dma_semaphore, #tpu.memory_space<semaphore_mem>>) attributes {dimension_semantics = [#tpu.dimension_semantics<core_parallel>, #tpu.dimension_semantics<subcore_parallel>], iteration_bounds = array<i64: 2, 16>, scalar_prefetch = 0 : i64, scratch_operands = 3 : i64, tpu.core_type = #tpu.core_type<sc_vector_subcore>, window_params = [{transform_indices = #map}, {transform_indices = #map1}, {transform_indices = #map1}]} {
    %mul3A = arith.constant 2 : i32
    %mul3A_0 = arith.muli %arg1, %mul3A : i32
    %add3A = arith.addi %mul3A_0, %arg0 : i32
    %scan3A = arith.constant 0 : i32
    %scan3A_1 = arith.constant 5 : i32
    %scan3A_2 = arith.addi %scan3A, %scan3A_1 : i32
    %scan3A_3 = arith.constant 1 : i32
    scf.for %scan3A_5 = %scan3A to %scan3A_2 step %scan3A_3  : i32 {
      %mul3A_6 = arith.constant 1 : i32
      %mul3A_7 = arith.muli %scan3A_5, %mul3A_6 : i32
      %add3A_8 = arith.constant 0 : i32
      %add3A_9 = arith.addi %add3A_8, %mul3A_7 : i32
      %mul3A_10 = arith.constant 5 : i32
      %mul3A_11 = arith.muli %add3A, %mul3A_10 : i32
      %add3A_12 = arith.addi %mul3A_11, %add3A_9 : i32
      %shift_right_arithmetic3A = arith.constant 4 : i32
      %shift_right_arithmetic3A_13 = arith.shrsi %add3A_12, %shift_right_arithmetic3A : i32
      %and3A = arith.constant 15 : i32
      %and3A_14 = arith.andi %add3A_12, %and3A : i32
      %mul3A_15 = arith.constant 1024 : i32
      %mul3A_16 = arith.muli %and3A_14, %mul3A_15 : i32
      "tpu.region"() ({
        %run_scoped3A = tpu.sem_alloc : memref<!tpu.dma_semaphore, #tpu.memory_space<semaphore_mem>>
        %dma_start3A_339 = tpu.memref_slice %arg3[%shift_right_arithmetic3A_13, %mul3A_16] : memref<10x16384xi32, #tpu.memory_space<hbm>> -> memref<1x1024xi32, #tpu.memory_space<hbm>>
        %dma_start3A_340 = tpu.memref_squeeze %dma_start3A_339 : memref<1x1024xi32, #tpu.memory_space<hbm>> -> memref<1024xi32, #tpu.memory_space<hbm>>
        %dma_start3A_341 = tpu.memref_slice %arg3[%shift_right_arithmetic3A_13, %mul3A_16] : memref<10x16384xi32, #tpu.memory_space<hbm>> -> memref<1x1024xi32, #tpu.memory_space<hbm>>
        %dma_start3A_342 = tpu.memref_squeeze %dma_start3A_341 : memref<1x1024xi32, #tpu.memory_space<hbm>> -> memref<1024xi32, #tpu.memory_space<hbm>>
        tpu.enqueue_dma source(%dma_start3A_342 : memref<1024xi32, #tpu.memory_space<hbm>>) target(%arg5 : memref<1024xi32, #tpu.memory_space<vmem>>) target_semaphore(%run_scoped3A : memref<!tpu.dma_semaphore, #tpu.memory_space<semaphore_mem>>)
        %dma_wait3A_343 = tpu.memref_slice %arg3[%shift_right_arithmetic3A_13, %mul3A_16] : memref<10x16384xi32, #tpu.memory_space<hbm>> -> memref<1x1024xi32, #tpu.memory_space<hbm>>
        %dma_wait3A_344 = tpu.memref_squeeze %dma_wait3A_343 : memref<1x1024xi32, #tpu.memory_space<hbm>> -> memref<1024xi32, #tpu.memory_space<hbm>>
        %dma_wait3A_345 = tpu.memref_slice %arg3[%shift_right_arithmetic3A_13, %mul3A_16] : memref<10x16384xi32, #tpu.memory_space<hbm>> -> memref<1x1024xi32, #tpu.memory_space<hbm>>
        %dma_wait3A_346 = tpu.memref_squeeze %dma_wait3A_345 : memref<1x1024xi32, #tpu.memory_space<hbm>> -> memref<1024xi32, #tpu.memory_space<hbm>>
        tpu.wait_dma2 semaphore(%run_scoped3A : memref<!tpu.dma_semaphore, #tpu.memory_space<semaphore_mem>>) src(%dma_wait3A_346 : memref<1024xi32, #tpu.memory_space<hbm>>) dst(%arg5 : memref<1024xi32, #tpu.memory_space<vmem>>)
        tpu.yield
      }) : () -> ()
      %dma_start3A = arith.constant 0 : i32
      %dma_start3A_17 = arith.constant 0 : i32
      %dma_start3A_18 = arith.constant 0 : i32
      %dma_start3A_19 = tpu.memref_slice %arg6[%dma_start3A_17, %dma_start3A_18] : memref<16x1024xf32, #tpu.memory_space<vmem>> -> memref<1x1024xf32, #tpu.memory_space<vmem>>
      %dma_start3A_20 = tpu.memref_squeeze %dma_start3A_19 : memref<1x1024xf32, #tpu.memory_space<vmem>> -> memref<1024xf32, #tpu.memory_space<vmem>>
      %dma_start3A_21 = arith.constant 0 : i32
      %dma_start3A_22 = tpu.memref_slice %arg2[%shift_right_arithmetic3A_13, %dma_start3A, %dma_start3A_21] : memref<10x16x100000xf32, #tpu.memory_space<hbm>> -> memref<1x1x100000xf32, #tpu.memory_space<hbm>>
      %dma_start3A_23 = tpu.memref_squeeze %dma_start3A_22 : memref<1x1x100000xf32, #tpu.memory_space<hbm>> -> memref<100000xf32, #tpu.memory_space<hbm>>
      %dma_start3A_24 = arith.constant 0 : i32
      %dma_start3A_25 = tpu.memref_slice %dma_start3A_23[%dma_start3A_24] : memref<100000xf32, #tpu.memory_space<hbm>> -> memref<100000xf32, #tpu.memory_space<hbm>>
      tpu.enqueue_indirect_dma source(%dma_start3A_25 : memref<100000xf32, #tpu.memory_space<hbm>>) target(%dma_start3A_20 : memref<1024xf32, #tpu.memory_space<vmem>>) offsets(%arg5 : memref<1024xi32, #tpu.memory_space<vmem>>) semaphore(%arg7 : memref<!tpu.dma_semaphore, #tpu.memory_space<semaphore_mem>>)
      %dma_start3A_26 = arith.constant 1 : i32
      %dma_start3A_27 = arith.constant 1 : i32
      %dma_start3A_28 = arith.constant 0 : i32
      %dma_start3A_29 = tpu.memref_slice %arg6[%dma_start3A_27, %dma_start3A_28] : memref<16x1024xf32, #tpu.memory_space<vmem>> -> memref<1x1024xf32, #tpu.memory_space<vmem>>
      %dma_start3A_30 = tpu.memref_squeeze %dma_start3A_29 : memref<1x1024xf32, #tpu.memory_space<vmem>> -> memref<1024xf32, #tpu.memory_space<vmem>>
      %dma_start3A_31 = arith.constant 0 : i32
      %dma_start3A_32 = tpu.memref_slice %arg2[%shift_right_arithmetic3A_13, %dma_start3A_26, %dma_start3A_31] : memref<10x16x100000xf32, #tpu.memory_space<hbm>> -> memref<1x1x100000xf32, #tpu.memory_space<hbm>>
      %dma_start3A_33 = tpu.memref_squeeze %dma_start3A_32 : memref<1x1x100000xf32, #tpu.memory_space<hbm>> -> memref<100000xf32, #tpu.memory_space<hbm>>
      %dma_start3A_34 = arith.constant 0 : i32
      %dma_start3A_35 = tpu.memref_slice %dma_start3A_33[%dma_start3A_34] : memref<100000xf32, #tpu.memory_space<hbm>> -> memref<100000xf32, #tpu.memory_space<hbm>>
      tpu.enqueue_indirect_dma source(%dma_start3A_35 : memref<100000xf32, #tpu.memory_space<hbm>>) target(%dma_start3A_30 : memref<1024xf32, #tpu.memory_space<vmem>>) offsets(%arg5 : memref<1024xi32, #tpu.memory_space<vmem>>) semaphore(%arg7 : memref<!tpu.dma_semaphore, #tpu.memory_space<semaphore_mem>>)
      %dma_start3A_36 = arith.constant 2 : i32
      %dma_start3A_37 = arith.constant 2 : i32
      %dma_start3A_38 = arith.constant 0 : i32
      %dma_start3A_39 = tpu.memref_slice %arg6[%dma_start3A_37, %dma_start3A_38] : memref<16x1024xf32, #tpu.memory_space<vmem>> -> memref<1x1024xf32, #tpu.memory_space<vmem>>
      %dma_start3A_40 = tpu.memref_squeeze %dma_start3A_39 : memref<1x1024xf32, #tpu.memory_space<vmem>> -> memref<1024xf32, #tpu.memory_space<vmem>>
      %dma_start3A_41 = arith.constant 0 : i32
      %dma_start3A_42 = tpu.memref_slice %arg2[%shift_right_arithmetic3A_13, %dma_start3A_36, %dma_start3A_41] : memref<10x16x100000xf32, #tpu.memory_space<hbm>> -> memref<1x1x100000xf32, #tpu.memory_space<hbm>>
      %dma_start3A_43 = tpu.memref_squeeze %dma_start3A_42 : memref<1x1x100000xf32, #tpu.memory_space<hbm>> -> memref<100000xf32, #tpu.memory_space<hbm>>
      %dma_start3A_44 = arith.constant 0 : i32
      %dma_start3A_45 = tpu.memref_slice %dma_start3A_43[%dma_start3A_44] : memref<100000xf32, #tpu.memory_space<hbm>> -> memref<100000xf32, #tpu.memory_space<hbm>>
      tpu.enqueue_indirect_dma source(%dma_start3A_45 : memref<100000xf32, #tpu.memory_space<hbm>>) target(%dma_start3A_40 : memref<1024xf32, #tpu.memory_space<vmem>>) offsets(%arg5 : memref<1024xi32, #tpu.memory_space<vmem>>) semaphore(%arg7 : memref<!tpu.dma_semaphore, #tpu.memory_space<semaphore_mem>>)
      %dma_start3A_46 = arith.constant 3 : i32
      %dma_start3A_47 = arith.constant 3 : i32
      %dma_start3A_48 = arith.constant 0 : i32
      %dma_start3A_49 = tpu.memref_slice %arg6[%dma_start3A_47, %dma_start3A_48] : memref<16x1024xf32, #tpu.memory_space<vmem>> -> memref<1x1024xf32, #tpu.memory_space<vmem>>
      %dma_start3A_50 = tpu.memref_squeeze %dma_start3A_49 : memref<1x1024xf32, #tpu.memory_space<vmem>> -> memref<1024xf32, #tpu.memory_space<vmem>>
      %dma_start3A_51 = arith.constant 0 : i32
      %dma_start3A_52 = tpu.memref_slice %arg2[%shift_right_arithmetic3A_13, %dma_start3A_46, %dma_start3A_51] : memref<10x16x100000xf32, #tpu.memory_space<hbm>> -> memref<1x1x100000xf32, #tpu.memory_space<hbm>>
      %dma_start3A_53 = tpu.memref_squeeze %dma_start3A_52 : memref<1x1x100000xf32, #tpu.memory_space<hbm>> -> memref<100000xf32, #tpu.memory_space<hbm>>
      %dma_start3A_54 = arith.constant 0 : i32
      %dma_start3A_55 = tpu.memref_slice %dma_start3A_53[%dma_start3A_54] : memref<100000xf32, #tpu.memory_space<hbm>> -> memref<100000xf32, #tpu.memory_space<hbm>>
      tpu.enqueue_indirect_dma source(%dma_start3A_55 : memref<100000xf32, #tpu.memory_space<hbm>>) target(%dma_start3A_50 : memref<1024xf32, #tpu.memory_space<vmem>>) offsets(%arg5 : memref<1024xi32, #tpu.memory_space<vmem>>) semaphore(%arg7 : memref<!tpu.dma_semaphore, #tpu.memory_space<semaphore_mem>>)
      %dma_start3A_56 = arith.constant 4 : i32
      %dma_start3A_57 = arith.constant 4 : i32
      %dma_start3A_58 = arith.constant 0 : i32
      %dma_start3A_59 = tpu.memref_slice %arg6[%dma_start3A_57, %dma_start3A_58] : memref<16x1024xf32, #tpu.memory_space<vmem>> -> memref<1x1024xf32, #tpu.memory_space<vmem>>
      %dma_start3A_60 = tpu.memref_squeeze %dma_start3A_59 : memref<1x1024xf32, #tpu.memory_space<vmem>> -> memref<1024xf32, #tpu.memory_space<vmem>>
      %dma_start3A_61 = arith.constant 0 : i32
      %dma_start3A_62 = tpu.memref_slice %arg2[%shift_right_arithmetic3A_13, %dma_start3A_56, %dma_start3A_61] : memref<10x16x100000xf32, #tpu.memory_space<hbm>> -> memref<1x1x100000xf32, #tpu.memory_space<hbm>>
      %dma_start3A_63 = tpu.memref_squeeze %dma_start3A_62 : memref<1x1x100000xf32, #tpu.memory_space<hbm>> -> memref<100000xf32, #tpu.memory_space<hbm>>
      %dma_start3A_64 = arith.constant 0 : i32
      %dma_start3A_65 = tpu.memref_slice %dma_start3A_63[%dma_start3A_64] : memref<100000xf32, #tpu.memory_space<hbm>> -> memref<100000xf32, #tpu.memory_space<hbm>>
      tpu.enqueue_indirect_dma source(%dma_start3A_65 : memref<100000xf32, #tpu.memory_space<hbm>>) target(%dma_start3A_60 : memref<1024xf32, #tpu.memory_space<vmem>>) offsets(%arg5 : memref<1024xi32, #tpu.memory_space<vmem>>) semaphore(%arg7 : memref<!tpu.dma_semaphore, #tpu.memory_space<semaphore_mem>>)
      %dma_start3A_66 = arith.constant 5 : i32
      %dma_start3A_67 = arith.constant 5 : i32
      %dma_start3A_68 = arith.constant 0 : i32
      %dma_start3A_69 = tpu.memref_slice %arg6[%dma_start3A_67, %dma_start3A_68] : memref<16x1024xf32, #tpu.memory_space<vmem>> -> memref<1x1024xf32, #tpu.memory_space<vmem>>
      %dma_start3A_70 = tpu.memref_squeeze %dma_start3A_69 : memref<1x1024xf32, #tpu.memory_space<vmem>> -> memref<1024xf32, #tpu.memory_space<vmem>>
      %dma_start3A_71 = arith.constant 0 : i32
      %dma_start3A_72 = tpu.memref_slice %arg2[%shift_right_arithmetic3A_13, %dma_start3A_66, %dma_start3A_71] : memref<10x16x100000xf32, #tpu.memory_space<hbm>> -> memref<1x1x100000xf32, #tpu.memory_space<hbm>>
      %dma_start3A_73 = tpu.memref_squeeze %dma_start3A_72 : memref<1x1x100000xf32, #tpu.memory_space<hbm>> -> memref<100000xf32, #tpu.memory_space<hbm>>
      %dma_start3A_74 = arith.constant 0 : i32
      %dma_start3A_75 = tpu.memref_slice %dma_start3A_73[%dma_start3A_74] : memref<100000xf32, #tpu.memory_space<hbm>> -> memref<100000xf32, #tpu.memory_space<hbm>>
      tpu.enqueue_indirect_dma source(%dma_start3A_75 : memref<100000xf32, #tpu.memory_space<hbm>>) target(%dma_start3A_70 : memref<1024xf32, #tpu.memory_space<vmem>>) offsets(%arg5 : memref<1024xi32, #tpu.memory_space<vmem>>) semaphore(%arg7 : memref<!tpu.dma_semaphore, #tpu.memory_space<semaphore_mem>>)
      %dma_start3A_76 = arith.constant 6 : i32
      %dma_start3A_77 = arith.constant 6 : i32
      %dma_start3A_78 = arith.constant 0 : i32
      %dma_start3A_79 = tpu.memref_slice %arg6[%dma_start3A_77, %dma_start3A_78] : memref<16x1024xf32, #tpu.memory_space<vmem>> -> memref<1x1024xf32, #tpu.memory_space<vmem>>
      %dma_start3A_80 = tpu.memref_squeeze %dma_start3A_79 : memref<1x1024xf32, #tpu.memory_space<vmem>> -> memref<1024xf32, #tpu.memory_space<vmem>>
      %dma_start3A_81 = arith.constant 0 : i32
      %dma_start3A_82 = tpu.memref_slice %arg2[%shift_right_arithmetic3A_13, %dma_start3A_76, %dma_start3A_81] : memref<10x16x100000xf32, #tpu.memory_space<hbm>> -> memref<1x1x100000xf32, #tpu.memory_space<hbm>>
      %dma_start3A_83 = tpu.memref_squeeze %dma_start3A_82 : memref<1x1x100000xf32, #tpu.memory_space<hbm>> -> memref<100000xf32, #tpu.memory_space<hbm>>
      %dma_start3A_84 = arith.constant 0 : i32
      %dma_start3A_85 = tpu.memref_slice %dma_start3A_83[%dma_start3A_84] : memref<100000xf32, #tpu.memory_space<hbm>> -> memref<100000xf32, #tpu.memory_space<hbm>>
      tpu.enqueue_indirect_dma source(%dma_start3A_85 : memref<100000xf32, #tpu.memory_space<hbm>>) target(%dma_start3A_80 : memref<1024xf32, #tpu.memory_space<vmem>>) offsets(%arg5 : memref<1024xi32, #tpu.memory_space<vmem>>) semaphore(%arg7 : memref<!tpu.dma_semaphore, #tpu.memory_space<semaphore_mem>>)
      %dma_start3A_86 = arith.constant 7 : i32
      %dma_start3A_87 = arith.constant 7 : i32
      %dma_start3A_88 = arith.constant 0 : i32
      %dma_start3A_89 = tpu.memref_slice %arg6[%dma_start3A_87, %dma_start3A_88] : memref<16x1024xf32, #tpu.memory_space<vmem>> -> memref<1x1024xf32, #tpu.memory_space<vmem>>
      %dma_start3A_90 = tpu.memref_squeeze %dma_start3A_89 : memref<1x1024xf32, #tpu.memory_space<vmem>> -> memref<1024xf32, #tpu.memory_space<vmem>>
      %dma_start3A_91 = arith.constant 0 : i32
      %dma_start3A_92 = tpu.memref_slice %arg2[%shift_right_arithmetic3A_13, %dma_start3A_86, %dma_start3A_91] : memref<10x16x100000xf32, #tpu.memory_space<hbm>> -> memref<1x1x100000xf32, #tpu.memory_space<hbm>>
      %dma_start3A_93 = tpu.memref_squeeze %dma_start3A_92 : memref<1x1x100000xf32, #tpu.memory_space<hbm>> -> memref<100000xf32, #tpu.memory_space<hbm>>
      %dma_start3A_94 = arith.constant 0 : i32
      %dma_start3A_95 = tpu.memref_slice %dma_start3A_93[%dma_start3A_94] : memref<100000xf32, #tpu.memory_space<hbm>> -> memref<100000xf32, #tpu.memory_space<hbm>>
      tpu.enqueue_indirect_dma source(%dma_start3A_95 : memref<100000xf32, #tpu.memory_space<hbm>>) target(%dma_start3A_90 : memref<1024xf32, #tpu.memory_space<vmem>>) offsets(%arg5 : memref<1024xi32, #tpu.memory_space<vmem>>) semaphore(%arg7 : memref<!tpu.dma_semaphore, #tpu.memory_space<semaphore_mem>>)
      %dma_start3A_96 = arith.constant 8 : i32
      %dma_start3A_97 = arith.constant 8 : i32
      %dma_start3A_98 = arith.constant 0 : i32
      %dma_start3A_99 = tpu.memref_slice %arg6[%dma_start3A_97, %dma_start3A_98] : memref<16x1024xf32, #tpu.memory_space<vmem>> -> memref<1x1024xf32, #tpu.memory_space<vmem>>
      %dma_start3A_100 = tpu.memref_squeeze %dma_start3A_99 : memref<1x1024xf32, #tpu.memory_space<vmem>> -> memref<1024xf32, #tpu.memory_space<vmem>>
      %dma_start3A_101 = arith.constant 0 : i32
      %dma_start3A_102 = tpu.memref_slice %arg2[%shift_right_arithmetic3A_13, %dma_start3A_96, %dma_start3A_101] : memref<10x16x100000xf32, #tpu.memory_space<hbm>> -> memref<1x1x100000xf32, #tpu.memory_space<hbm>>
      %dma_start3A_103 = tpu.memref_squeeze %dma_start3A_102 : memref<1x1x100000xf32, #tpu.memory_space<hbm>> -> memref<100000xf32, #tpu.memory_space<hbm>>
      %dma_start3A_104 = arith.constant 0 : i32
      %dma_start3A_105 = tpu.memref_slice %dma_start3A_103[%dma_start3A_104] : memref<100000xf32, #tpu.memory_space<hbm>> -> memref<100000xf32, #tpu.memory_space<hbm>>
      tpu.enqueue_indirect_dma source(%dma_start3A_105 : memref<100000xf32, #tpu.memory_space<hbm>>) target(%dma_start3A_100 : memref<1024xf32, #tpu.memory_space<vmem>>) offsets(%arg5 : memref<1024xi32, #tpu.memory_space<vmem>>) semaphore(%arg7 : memref<!tpu.dma_semaphore, #tpu.memory_space<semaphore_mem>>)
      %dma_start3A_106 = arith.constant 9 : i32
      %dma_start3A_107 = arith.constant 9 : i32
      %dma_start3A_108 = arith.constant 0 : i32
      %dma_start3A_109 = tpu.memref_slice %arg6[%dma_start3A_107, %dma_start3A_108] : memref<16x1024xf32, #tpu.memory_space<vmem>> -> memref<1x1024xf32, #tpu.memory_space<vmem>>
      %dma_start3A_110 = tpu.memref_squeeze %dma_start3A_109 : memref<1x1024xf32, #tpu.memory_space<vmem>> -> memref<1024xf32, #tpu.memory_space<vmem>>
      %dma_start3A_111 = arith.constant 0 : i32
      %dma_start3A_112 = tpu.memref_slice %arg2[%shift_right_arithmetic3A_13, %dma_start3A_106, %dma_start3A_111] : memref<10x16x100000xf32, #tpu.memory_space<hbm>> -> memref<1x1x100000xf32, #tpu.memory_space<hbm>>
      %dma_start3A_113 = tpu.memref_squeeze %dma_start3A_112 : memref<1x1x100000xf32, #tpu.memory_space<hbm>> -> memref<100000xf32, #tpu.memory_space<hbm>>
      %dma_start3A_114 = arith.constant 0 : i32
      %dma_start3A_115 = tpu.memref_slice %dma_start3A_113[%dma_start3A_114] : memref<100000xf32, #tpu.memory_space<hbm>> -> memref<100000xf32, #tpu.memory_space<hbm>>
      tpu.enqueue_indirect_dma source(%dma_start3A_115 : memref<100000xf32, #tpu.memory_space<hbm>>) target(%dma_start3A_110 : memref<1024xf32, #tpu.memory_space<vmem>>) offsets(%arg5 : memref<1024xi32, #tpu.memory_space<vmem>>) semaphore(%arg7 : memref<!tpu.dma_semaphore, #tpu.memory_space<semaphore_mem>>)
      %dma_start3A_116 = arith.constant 10 : i32
      %dma_start3A_117 = arith.constant 10 : i32
      %dma_start3A_118 = arith.constant 0 : i32
      %dma_start3A_119 = tpu.memref_slice %arg6[%dma_start3A_117, %dma_start3A_118] : memref<16x1024xf32, #tpu.memory_space<vmem>> -> memref<1x1024xf32, #tpu.memory_space<vmem>>
      %dma_start3A_120 = tpu.memref_squeeze %dma_start3A_119 : memref<1x1024xf32, #tpu.memory_space<vmem>> -> memref<1024xf32, #tpu.memory_space<vmem>>
      %dma_start3A_121 = arith.constant 0 : i32
      %dma_start3A_122 = tpu.memref_slice %arg2[%shift_right_arithmetic3A_13, %dma_start3A_116, %dma_start3A_121] : memref<10x16x100000xf32, #tpu.memory_space<hbm>> -> memref<1x1x100000xf32, #tpu.memory_space<hbm>>
      %dma_start3A_123 = tpu.memref_squeeze %dma_start3A_122 : memref<1x1x100000xf32, #tpu.memory_space<hbm>> -> memref<100000xf32, #tpu.memory_space<hbm>>
      %dma_start3A_124 = arith.constant 0 : i32
      %dma_start3A_125 = tpu.memref_slice %dma_start3A_123[%dma_start3A_124] : memref<100000xf32, #tpu.memory_space<hbm>> -> memref<100000xf32, #tpu.memory_space<hbm>>
      tpu.enqueue_indirect_dma source(%dma_start3A_125 : memref<100000xf32, #tpu.memory_space<hbm>>) target(%dma_start3A_120 : memref<1024xf32, #tpu.memory_space<vmem>>) offsets(%arg5 : memref<1024xi32, #tpu.memory_space<vmem>>) semaphore(%arg7 : memref<!tpu.dma_semaphore, #tpu.memory_space<semaphore_mem>>)
      %dma_start3A_126 = arith.constant 11 : i32
      %dma_start3A_127 = arith.constant 11 : i32
      %dma_start3A_128 = arith.constant 0 : i32
      %dma_start3A_129 = tpu.memref_slice %arg6[%dma_start3A_127, %dma_start3A_128] : memref<16x1024xf32, #tpu.memory_space<vmem>> -> memref<1x1024xf32, #tpu.memory_space<vmem>>
      %dma_start3A_130 = tpu.memref_squeeze %dma_start3A_129 : memref<1x1024xf32, #tpu.memory_space<vmem>> -> memref<1024xf32, #tpu.memory_space<vmem>>
      %dma_start3A_131 = arith.constant 0 : i32
      %dma_start3A_132 = tpu.memref_slice %arg2[%shift_right_arithmetic3A_13, %dma_start3A_126, %dma_start3A_131] : memref<10x16x100000xf32, #tpu.memory_space<hbm>> -> memref<1x1x100000xf32, #tpu.memory_space<hbm>>
      %dma_start3A_133 = tpu.memref_squeeze %dma_start3A_132 : memref<1x1x100000xf32, #tpu.memory_space<hbm>> -> memref<100000xf32, #tpu.memory_space<hbm>>
      %dma_start3A_134 = arith.constant 0 : i32
      %dma_start3A_135 = tpu.memref_slice %dma_start3A_133[%dma_start3A_134] : memref<100000xf32, #tpu.memory_space<hbm>> -> memref<100000xf32, #tpu.memory_space<hbm>>
      tpu.enqueue_indirect_dma source(%dma_start3A_135 : memref<100000xf32, #tpu.memory_space<hbm>>) target(%dma_start3A_130 : memref<1024xf32, #tpu.memory_space<vmem>>) offsets(%arg5 : memref<1024xi32, #tpu.memory_space<vmem>>) semaphore(%arg7 : memref<!tpu.dma_semaphore, #tpu.memory_space<semaphore_mem>>)
      %dma_start3A_136 = arith.constant 12 : i32
      %dma_start3A_137 = arith.constant 12 : i32
      %dma_start3A_138 = arith.constant 0 : i32
      %dma_start3A_139 = tpu.memref_slice %arg6[%dma_start3A_137, %dma_start3A_138] : memref<16x1024xf32, #tpu.memory_space<vmem>> -> memref<1x1024xf32, #tpu.memory_space<vmem>>
      %dma_start3A_140 = tpu.memref_squeeze %dma_start3A_139 : memref<1x1024xf32, #tpu.memory_space<vmem>> -> memref<1024xf32, #tpu.memory_space<vmem>>
      %dma_start3A_141 = arith.constant 0 : i32
      %dma_start3A_142 = tpu.memref_slice %arg2[%shift_right_arithmetic3A_13, %dma_start3A_136, %dma_start3A_141] : memref<10x16x100000xf32, #tpu.memory_space<hbm>> -> memref<1x1x100000xf32, #tpu.memory_space<hbm>>
      %dma_start3A_143 = tpu.memref_squeeze %dma_start3A_142 : memref<1x1x100000xf32, #tpu.memory_space<hbm>> -> memref<100000xf32, #tpu.memory_space<hbm>>
      %dma_start3A_144 = arith.constant 0 : i32
      %dma_start3A_145 = tpu.memref_slice %dma_start3A_143[%dma_start3A_144] : memref<100000xf32, #tpu.memory_space<hbm>> -> memref<100000xf32, #tpu.memory_space<hbm>>
      tpu.enqueue_indirect_dma source(%dma_start3A_145 : memref<100000xf32, #tpu.memory_space<hbm>>) target(%dma_start3A_140 : memref<1024xf32, #tpu.memory_space<vmem>>) offsets(%arg5 : memref<1024xi32, #tpu.memory_space<vmem>>) semaphore(%arg7 : memref<!tpu.dma_semaphore, #tpu.memory_space<semaphore_mem>>)
      %dma_start3A_146 = arith.constant 13 : i32
      %dma_start3A_147 = arith.constant 13 : i32
      %dma_start3A_148 = arith.constant 0 : i32
      %dma_start3A_149 = tpu.memref_slice %arg6[%dma_start3A_147, %dma_start3A_148] : memref<16x1024xf32, #tpu.memory_space<vmem>> -> memref<1x1024xf32, #tpu.memory_space<vmem>>
      %dma_start3A_150 = tpu.memref_squeeze %dma_start3A_149 : memref<1x1024xf32, #tpu.memory_space<vmem>> -> memref<1024xf32, #tpu.memory_space<vmem>>
      %dma_start3A_151 = arith.constant 0 : i32
      %dma_start3A_152 = tpu.memref_slice %arg2[%shift_right_arithmetic3A_13, %dma_start3A_146, %dma_start3A_151] : memref<10x16x100000xf32, #tpu.memory_space<hbm>> -> memref<1x1x100000xf32, #tpu.memory_space<hbm>>
      %dma_start3A_153 = tpu.memref_squeeze %dma_start3A_152 : memref<1x1x100000xf32, #tpu.memory_space<hbm>> -> memref<100000xf32, #tpu.memory_space<hbm>>
      %dma_start3A_154 = arith.constant 0 : i32
      %dma_start3A_155 = tpu.memref_slice %dma_start3A_153[%dma_start3A_154] : memref<100000xf32, #tpu.memory_space<hbm>> -> memref<100000xf32, #tpu.memory_space<hbm>>
      tpu.enqueue_indirect_dma source(%dma_start3A_155 : memref<100000xf32, #tpu.memory_space<hbm>>) target(%dma_start3A_150 : memref<1024xf32, #tpu.memory_space<vmem>>) offsets(%arg5 : memref<1024xi32, #tpu.memory_space<vmem>>) semaphore(%arg7 : memref<!tpu.dma_semaphore, #tpu.memory_space<semaphore_mem>>)
      %dma_start3A_156 = arith.constant 14 : i32
      %dma_start3A_157 = arith.constant 14 : i32
      %dma_start3A_158 = arith.constant 0 : i32
      %dma_start3A_159 = tpu.memref_slice %arg6[%dma_start3A_157, %dma_start3A_158] : memref<16x1024xf32, #tpu.memory_space<vmem>> -> memref<1x1024xf32, #tpu.memory_space<vmem>>
      %dma_start3A_160 = tpu.memref_squeeze %dma_start3A_159 : memref<1x1024xf32, #tpu.memory_space<vmem>> -> memref<1024xf32, #tpu.memory_space<vmem>>
      %dma_start3A_161 = arith.constant 0 : i32
      %dma_start3A_162 = tpu.memref_slice %arg2[%shift_right_arithmetic3A_13, %dma_start3A_156, %dma_start3A_161] : memref<10x16x100000xf32, #tpu.memory_space<hbm>> -> memref<1x1x100000xf32, #tpu.memory_space<hbm>>
      %dma_start3A_163 = tpu.memref_squeeze %dma_start3A_162 : memref<1x1x100000xf32, #tpu.memory_space<hbm>> -> memref<100000xf32, #tpu.memory_space<hbm>>
      %dma_start3A_164 = arith.constant 0 : i32
      %dma_start3A_165 = tpu.memref_slice %dma_start3A_163[%dma_start3A_164] : memref<100000xf32, #tpu.memory_space<hbm>> -> memref<100000xf32, #tpu.memory_space<hbm>>
      tpu.enqueue_indirect_dma source(%dma_start3A_165 : memref<100000xf32, #tpu.memory_space<hbm>>) target(%dma_start3A_160 : memref<1024xf32, #tpu.memory_space<vmem>>) offsets(%arg5 : memref<1024xi32, #tpu.memory_space<vmem>>) semaphore(%arg7 : memref<!tpu.dma_semaphore, #tpu.memory_space<semaphore_mem>>)
      %dma_start3A_166 = arith.constant 15 : i32
      %dma_start3A_167 = arith.constant 15 : i32
      %dma_start3A_168 = arith.constant 0 : i32
      %dma_start3A_169 = tpu.memref_slice %arg6[%dma_start3A_167, %dma_start3A_168] : memref<16x1024xf32, #tpu.memory_space<vmem>> -> memref<1x1024xf32, #tpu.memory_space<vmem>>
      %dma_start3A_170 = tpu.memref_squeeze %dma_start3A_169 : memref<1x1024xf32, #tpu.memory_space<vmem>> -> memref<1024xf32, #tpu.memory_space<vmem>>
      %dma_start3A_171 = arith.constant 0 : i32
      %dma_start3A_172 = tpu.memref_slice %arg2[%shift_right_arithmetic3A_13, %dma_start3A_166, %dma_start3A_171] : memref<10x16x100000xf32, #tpu.memory_space<hbm>> -> memref<1x1x100000xf32, #tpu.memory_space<hbm>>
      %dma_start3A_173 = tpu.memref_squeeze %dma_start3A_172 : memref<1x1x100000xf32, #tpu.memory_space<hbm>> -> memref<100000xf32, #tpu.memory_space<hbm>>
      %dma_start3A_174 = arith.constant 0 : i32
      %dma_start3A_175 = tpu.memref_slice %dma_start3A_173[%dma_start3A_174] : memref<100000xf32, #tpu.memory_space<hbm>> -> memref<100000xf32, #tpu.memory_space<hbm>>
      tpu.enqueue_indirect_dma source(%dma_start3A_175 : memref<100000xf32, #tpu.memory_space<hbm>>) target(%dma_start3A_170 : memref<1024xf32, #tpu.memory_space<vmem>>) offsets(%arg5 : memref<1024xi32, #tpu.memory_space<vmem>>) semaphore(%arg7 : memref<!tpu.dma_semaphore, #tpu.memory_space<semaphore_mem>>)
      %dma_wait3A = arith.constant 0 : i32
      %dma_wait3A_176 = arith.constant 0 : i32
      %dma_wait3A_177 = arith.constant 0 : i32
      %dma_wait3A_178 = tpu.memref_slice %arg6[%dma_wait3A_176, %dma_wait3A_177] : memref<16x1024xf32, #tpu.memory_space<vmem>> -> memref<1x1024xf32, #tpu.memory_space<vmem>>
      %dma_wait3A_179 = tpu.memref_squeeze %dma_wait3A_178 : memref<1x1024xf32, #tpu.memory_space<vmem>> -> memref<1024xf32, #tpu.memory_space<vmem>>
      %dma_wait3A_180 = arith.constant 0 : i32
      %dma_wait3A_181 = tpu.memref_slice %arg2[%shift_right_arithmetic3A_13, %dma_wait3A, %dma_wait3A_180] : memref<10x16x100000xf32, #tpu.memory_space<hbm>> -> memref<1x1x100000xf32, #tpu.memory_space<hbm>>
      %dma_wait3A_182 = tpu.memref_squeeze %dma_wait3A_181 : memref<1x1x100000xf32, #tpu.memory_space<hbm>> -> memref<100000xf32, #tpu.memory_space<hbm>>
      %dma_wait3A_183 = arith.constant 0 : i32
      %dma_wait3A_184 = tpu.memref_slice %dma_wait3A_182[%dma_wait3A_183] : memref<100000xf32, #tpu.memory_space<hbm>> -> memref<100000xf32, #tpu.memory_space<hbm>>
      tpu.wait_indirect_dma semaphore(%arg7 : memref<!tpu.dma_semaphore, #tpu.memory_space<semaphore_mem>>) src(%dma_wait3A_184 : memref<100000xf32, #tpu.memory_space<hbm>>) dst(%dma_wait3A_179 : memref<1024xf32, #tpu.memory_space<vmem>>)
      %dma_wait3A_185 = arith.constant 1 : i32
      %dma_wait3A_186 = arith.constant 1 : i32
      %dma_wait3A_187 = arith.constant 0 : i32
      %dma_wait3A_188 = tpu.memref_slice %arg6[%dma_wait3A_186, %dma_wait3A_187] : memref<16x1024xf32, #tpu.memory_space<vmem>> -> memref<1x1024xf32, #tpu.memory_space<vmem>>
      %dma_wait3A_189 = tpu.memref_squeeze %dma_wait3A_188 : memref<1x1024xf32, #tpu.memory_space<vmem>> -> memref<1024xf32, #tpu.memory_space<vmem>>
      %dma_wait3A_190 = arith.constant 0 : i32
      %dma_wait3A_191 = tpu.memref_slice %arg2[%shift_right_arithmetic3A_13, %dma_wait3A_185, %dma_wait3A_190] : memref<10x16x100000xf32, #tpu.memory_space<hbm>> -> memref<1x1x100000xf32, #tpu.memory_space<hbm>>
      %dma_wait3A_192 = tpu.memref_squeeze %dma_wait3A_191 : memref<1x1x100000xf32, #tpu.memory_space<hbm>> -> memref<100000xf32, #tpu.memory_space<hbm>>
      %dma_wait3A_193 = arith.constant 0 : i32
      %dma_wait3A_194 = tpu.memref_slice %dma_wait3A_192[%dma_wait3A_193] : memref<100000xf32, #tpu.memory_space<hbm>> -> memref<100000xf32, #tpu.memory_space<hbm>>
      tpu.wait_indirect_dma semaphore(%arg7 : memref<!tpu.dma_semaphore, #tpu.memory_space<semaphore_mem>>) src(%dma_wait3A_194 : memref<100000xf32, #tpu.memory_space<hbm>>) dst(%dma_wait3A_189 : memref<1024xf32, #tpu.memory_space<vmem>>)
      %dma_wait3A_195 = arith.constant 2 : i32
      %dma_wait3A_196 = arith.constant 2 : i32
      %dma_wait3A_197 = arith.constant 0 : i32
      %dma_wait3A_198 = tpu.memref_slice %arg6[%dma_wait3A_196, %dma_wait3A_197] : memref<16x1024xf32, #tpu.memory_space<vmem>> -> memref<1x1024xf32, #tpu.memory_space<vmem>>
      %dma_wait3A_199 = tpu.memref_squeeze %dma_wait3A_198 : memref<1x1024xf32, #tpu.memory_space<vmem>> -> memref<1024xf32, #tpu.memory_space<vmem>>
      %dma_wait3A_200 = arith.constant 0 : i32
      %dma_wait3A_201 = tpu.memref_slice %arg2[%shift_right_arithmetic3A_13, %dma_wait3A_195, %dma_wait3A_200] : memref<10x16x100000xf32, #tpu.memory_space<hbm>> -> memref<1x1x100000xf32, #tpu.memory_space<hbm>>
      %dma_wait3A_202 = tpu.memref_squeeze %dma_wait3A_201 : memref<1x1x100000xf32, #tpu.memory_space<hbm>> -> memref<100000xf32, #tpu.memory_space<hbm>>
      %dma_wait3A_203 = arith.constant 0 : i32
      %dma_wait3A_204 = tpu.memref_slice %dma_wait3A_202[%dma_wait3A_203] : memref<100000xf32, #tpu.memory_space<hbm>> -> memref<100000xf32, #tpu.memory_space<hbm>>
      tpu.wait_indirect_dma semaphore(%arg7 : memref<!tpu.dma_semaphore, #tpu.memory_space<semaphore_mem>>) src(%dma_wait3A_204 : memref<100000xf32, #tpu.memory_space<hbm>>) dst(%dma_wait3A_199 : memref<1024xf32, #tpu.memory_space<vmem>>)
      %dma_wait3A_205 = arith.constant 3 : i32
      %dma_wait3A_206 = arith.constant 3 : i32
      %dma_wait3A_207 = arith.constant 0 : i32
      %dma_wait3A_208 = tpu.memref_slice %arg6[%dma_wait3A_206, %dma_wait3A_207] : memref<16x1024xf32, #tpu.memory_space<vmem>> -> memref<1x1024xf32, #tpu.memory_space<vmem>>
      %dma_wait3A_209 = tpu.memref_squeeze %dma_wait3A_208 : memref<1x1024xf32, #tpu.memory_space<vmem>> -> memref<1024xf32, #tpu.memory_space<vmem>>
      %dma_wait3A_210 = arith.constant 0 : i32
      %dma_wait3A_211 = tpu.memref_slice %arg2[%shift_right_arithmetic3A_13, %dma_wait3A_205, %dma_wait3A_210] : memref<10x16x100000xf32, #tpu.memory_space<hbm>> -> memref<1x1x100000xf32, #tpu.memory_space<hbm>>
      %dma_wait3A_212 = tpu.memref_squeeze %dma_wait3A_211 : memref<1x1x100000xf32, #tpu.memory_space<hbm>> -> memref<100000xf32, #tpu.memory_space<hbm>>
      %dma_wait3A_213 = arith.constant 0 : i32
      %dma_wait3A_214 = tpu.memref_slice %dma_wait3A_212[%dma_wait3A_213] : memref<100000xf32, #tpu.memory_space<hbm>> -> memref<100000xf32, #tpu.memory_space<hbm>>
      tpu.wait_indirect_dma semaphore(%arg7 : memref<!tpu.dma_semaphore, #tpu.memory_space<semaphore_mem>>) src(%dma_wait3A_214 : memref<100000xf32, #tpu.memory_space<hbm>>) dst(%dma_wait3A_209 : memref<1024xf32, #tpu.memory_space<vmem>>)
      %dma_wait3A_215 = arith.constant 4 : i32
      %dma_wait3A_216 = arith.constant 4 : i32
      %dma_wait3A_217 = arith.constant 0 : i32
      %dma_wait3A_218 = tpu.memref_slice %arg6[%dma_wait3A_216, %dma_wait3A_217] : memref<16x1024xf32, #tpu.memory_space<vmem>> -> memref<1x1024xf32, #tpu.memory_space<vmem>>
      %dma_wait3A_219 = tpu.memref_squeeze %dma_wait3A_218 : memref<1x1024xf32, #tpu.memory_space<vmem>> -> memref<1024xf32, #tpu.memory_space<vmem>>
      %dma_wait3A_220 = arith.constant 0 : i32
      %dma_wait3A_221 = tpu.memref_slice %arg2[%shift_right_arithmetic3A_13, %dma_wait3A_215, %dma_wait3A_220] : memref<10x16x100000xf32, #tpu.memory_space<hbm>> -> memref<1x1x100000xf32, #tpu.memory_space<hbm>>
      %dma_wait3A_222 = tpu.memref_squeeze %dma_wait3A_221 : memref<1x1x100000xf32, #tpu.memory_space<hbm>> -> memref<100000xf32, #tpu.memory_space<hbm>>
      %dma_wait3A_223 = arith.constant 0 : i32
      %dma_wait3A_224 = tpu.memref_slice %dma_wait3A_222[%dma_wait3A_223] : memref<100000xf32, #tpu.memory_space<hbm>> -> memref<100000xf32, #tpu.memory_space<hbm>>
      tpu.wait_indirect_dma semaphore(%arg7 : memref<!tpu.dma_semaphore, #tpu.memory_space<semaphore_mem>>) src(%dma_wait3A_224 : memref<100000xf32, #tpu.memory_space<hbm>>) dst(%dma_wait3A_219 : memref<1024xf32, #tpu.memory_space<vmem>>)
      %dma_wait3A_225 = arith.constant 5 : i32
      %dma_wait3A_226 = arith.constant 5 : i32
      %dma_wait3A_227 = arith.constant 0 : i32
      %dma_wait3A_228 = tpu.memref_slice %arg6[%dma_wait3A_226, %dma_wait3A_227] : memref<16x1024xf32, #tpu.memory_space<vmem>> -> memref<1x1024xf32, #tpu.memory_space<vmem>>
      %dma_wait3A_229 = tpu.memref_squeeze %dma_wait3A_228 : memref<1x1024xf32, #tpu.memory_space<vmem>> -> memref<1024xf32, #tpu.memory_space<vmem>>
      %dma_wait3A_230 = arith.constant 0 : i32
      %dma_wait3A_231 = tpu.memref_slice %arg2[%shift_right_arithmetic3A_13, %dma_wait3A_225, %dma_wait3A_230] : memref<10x16x100000xf32, #tpu.memory_space<hbm>> -> memref<1x1x100000xf32, #tpu.memory_space<hbm>>
      %dma_wait3A_232 = tpu.memref_squeeze %dma_wait3A_231 : memref<1x1x100000xf32, #tpu.memory_space<hbm>> -> memref<100000xf32, #tpu.memory_space<hbm>>
      %dma_wait3A_233 = arith.constant 0 : i32
      %dma_wait3A_234 = tpu.memref_slice %dma_wait3A_232[%dma_wait3A_233] : memref<100000xf32, #tpu.memory_space<hbm>> -> memref<100000xf32, #tpu.memory_space<hbm>>
      tpu.wait_indirect_dma semaphore(%arg7 : memref<!tpu.dma_semaphore, #tpu.memory_space<semaphore_mem>>) src(%dma_wait3A_234 : memref<100000xf32, #tpu.memory_space<hbm>>) dst(%dma_wait3A_229 : memref<1024xf32, #tpu.memory_space<vmem>>)
      %dma_wait3A_235 = arith.constant 6 : i32
      %dma_wait3A_236 = arith.constant 6 : i32
      %dma_wait3A_237 = arith.constant 0 : i32
      %dma_wait3A_238 = tpu.memref_slice %arg6[%dma_wait3A_236, %dma_wait3A_237] : memref<16x1024xf32, #tpu.memory_space<vmem>> -> memref<1x1024xf32, #tpu.memory_space<vmem>>
      %dma_wait3A_239 = tpu.memref_squeeze %dma_wait3A_238 : memref<1x1024xf32, #tpu.memory_space<vmem>> -> memref<1024xf32, #tpu.memory_space<vmem>>
      %dma_wait3A_240 = arith.constant 0 : i32
      %dma_wait3A_241 = tpu.memref_slice %arg2[%shift_right_arithmetic3A_13, %dma_wait3A_235, %dma_wait3A_240] : memref<10x16x100000xf32, #tpu.memory_space<hbm>> -> memref<1x1x100000xf32, #tpu.memory_space<hbm>>
      %dma_wait3A_242 = tpu.memref_squeeze %dma_wait3A_241 : memref<1x1x100000xf32, #tpu.memory_space<hbm>> -> memref<100000xf32, #tpu.memory_space<hbm>>
      %dma_wait3A_243 = arith.constant 0 : i32
      %dma_wait3A_244 = tpu.memref_slice %dma_wait3A_242[%dma_wait3A_243] : memref<100000xf32, #tpu.memory_space<hbm>> -> memref<100000xf32, #tpu.memory_space<hbm>>
      tpu.wait_indirect_dma semaphore(%arg7 : memref<!tpu.dma_semaphore, #tpu.memory_space<semaphore_mem>>) src(%dma_wait3A_244 : memref<100000xf32, #tpu.memory_space<hbm>>) dst(%dma_wait3A_239 : memref<1024xf32, #tpu.memory_space<vmem>>)
      %dma_wait3A_245 = arith.constant 7 : i32
      %dma_wait3A_246 = arith.constant 7 : i32
      %dma_wait3A_247 = arith.constant 0 : i32
      %dma_wait3A_248 = tpu.memref_slice %arg6[%dma_wait3A_246, %dma_wait3A_247] : memref<16x1024xf32, #tpu.memory_space<vmem>> -> memref<1x1024xf32, #tpu.memory_space<vmem>>
      %dma_wait3A_249 = tpu.memref_squeeze %dma_wait3A_248 : memref<1x1024xf32, #tpu.memory_space<vmem>> -> memref<1024xf32, #tpu.memory_space<vmem>>
      %dma_wait3A_250 = arith.constant 0 : i32
      %dma_wait3A_251 = tpu.memref_slice %arg2[%shift_right_arithmetic3A_13, %dma_wait3A_245, %dma_wait3A_250] : memref<10x16x100000xf32, #tpu.memory_space<hbm>> -> memref<1x1x100000xf32, #tpu.memory_space<hbm>>
      %dma_wait3A_252 = tpu.memref_squeeze %dma_wait3A_251 : memref<1x1x100000xf32, #tpu.memory_space<hbm>> -> memref<100000xf32, #tpu.memory_space<hbm>>
      %dma_wait3A_253 = arith.constant 0 : i32
      %dma_wait3A_254 = tpu.memref_slice %dma_wait3A_252[%dma_wait3A_253] : memref<100000xf32, #tpu.memory_space<hbm>> -> memref<100000xf32, #tpu.memory_space<hbm>>
      tpu.wait_indirect_dma semaphore(%arg7 : memref<!tpu.dma_semaphore, #tpu.memory_space<semaphore_mem>>) src(%dma_wait3A_254 : memref<100000xf32, #tpu.memory_space<hbm>>) dst(%dma_wait3A_249 : memref<1024xf32, #tpu.memory_space<vmem>>)
      %dma_wait3A_255 = arith.constant 8 : i32
      %dma_wait3A_256 = arith.constant 8 : i32
      %dma_wait3A_257 = arith.constant 0 : i32
      %dma_wait3A_258 = tpu.memref_slice %arg6[%dma_wait3A_256, %dma_wait3A_257] : memref<16x1024xf32, #tpu.memory_space<vmem>> -> memref<1x1024xf32, #tpu.memory_space<vmem>>
      %dma_wait3A_259 = tpu.memref_squeeze %dma_wait3A_258 : memref<1x1024xf32, #tpu.memory_space<vmem>> -> memref<1024xf32, #tpu.memory_space<vmem>>
      %dma_wait3A_260 = arith.constant 0 : i32
      %dma_wait3A_261 = tpu.memref_slice %arg2[%shift_right_arithmetic3A_13, %dma_wait3A_255, %dma_wait3A_260] : memref<10x16x100000xf32, #tpu.memory_space<hbm>> -> memref<1x1x100000xf32, #tpu.memory_space<hbm>>
      %dma_wait3A_262 = tpu.memref_squeeze %dma_wait3A_261 : memref<1x1x100000xf32, #tpu.memory_space<hbm>> -> memref<100000xf32, #tpu.memory_space<hbm>>
      %dma_wait3A_263 = arith.constant 0 : i32
      %dma_wait3A_264 = tpu.memref_slice %dma_wait3A_262[%dma_wait3A_263] : memref<100000xf32, #tpu.memory_space<hbm>> -> memref<100000xf32, #tpu.memory_space<hbm>>
      tpu.wait_indirect_dma semaphore(%arg7 : memref<!tpu.dma_semaphore, #tpu.memory_space<semaphore_mem>>) src(%dma_wait3A_264 : memref<100000xf32, #tpu.memory_space<hbm>>) dst(%dma_wait3A_259 : memref<1024xf32, #tpu.memory_space<vmem>>)
      %dma_wait3A_265 = arith.constant 9 : i32
      %dma_wait3A_266 = arith.constant 9 : i32
      %dma_wait3A_267 = arith.constant 0 : i32
      %dma_wait3A_268 = tpu.memref_slice %arg6[%dma_wait3A_266, %dma_wait3A_267] : memref<16x1024xf32, #tpu.memory_space<vmem>> -> memref<1x1024xf32, #tpu.memory_space<vmem>>
      %dma_wait3A_269 = tpu.memref_squeeze %dma_wait3A_268 : memref<1x1024xf32, #tpu.memory_space<vmem>> -> memref<1024xf32, #tpu.memory_space<vmem>>
      %dma_wait3A_270 = arith.constant 0 : i32
      %dma_wait3A_271 = tpu.memref_slice %arg2[%shift_right_arithmetic3A_13, %dma_wait3A_265, %dma_wait3A_270] : memref<10x16x100000xf32, #tpu.memory_space<hbm>> -> memref<1x1x100000xf32, #tpu.memory_space<hbm>>
      %dma_wait3A_272 = tpu.memref_squeeze %dma_wait3A_271 : memref<1x1x100000xf32, #tpu.memory_space<hbm>> -> memref<100000xf32, #tpu.memory_space<hbm>>
      %dma_wait3A_273 = arith.constant 0 : i32
      %dma_wait3A_274 = tpu.memref_slice %dma_wait3A_272[%dma_wait3A_273] : memref<100000xf32, #tpu.memory_space<hbm>> -> memref<100000xf32, #tpu.memory_space<hbm>>
      tpu.wait_indirect_dma semaphore(%arg7 : memref<!tpu.dma_semaphore, #tpu.memory_space<semaphore_mem>>) src(%dma_wait3A_274 : memref<100000xf32, #tpu.memory_space<hbm>>) dst(%dma_wait3A_269 : memref<1024xf32, #tpu.memory_space<vmem>>)
      %dma_wait3A_275 = arith.constant 10 : i32
      %dma_wait3A_276 = arith.constant 10 : i32
      %dma_wait3A_277 = arith.constant 0 : i32
      %dma_wait3A_278 = tpu.memref_slice %arg6[%dma_wait3A_276, %dma_wait3A_277] : memref<16x1024xf32, #tpu.memory_space<vmem>> -> memref<1x1024xf32, #tpu.memory_space<vmem>>
      %dma_wait3A_279 = tpu.memref_squeeze %dma_wait3A_278 : memref<1x1024xf32, #tpu.memory_space<vmem>> -> memref<1024xf32, #tpu.memory_space<vmem>>
      %dma_wait3A_280 = arith.constant 0 : i32
      %dma_wait3A_281 = tpu.memref_slice %arg2[%shift_right_arithmetic3A_13, %dma_wait3A_275, %dma_wait3A_280] : memref<10x16x100000xf32, #tpu.memory_space<hbm>> -> memref<1x1x100000xf32, #tpu.memory_space<hbm>>
      %dma_wait3A_282 = tpu.memref_squeeze %dma_wait3A_281 : memref<1x1x100000xf32, #tpu.memory_space<hbm>> -> memref<100000xf32, #tpu.memory_space<hbm>>
      %dma_wait3A_283 = arith.constant 0 : i32
      %dma_wait3A_284 = tpu.memref_slice %dma_wait3A_282[%dma_wait3A_283] : memref<100000xf32, #tpu.memory_space<hbm>> -> memref<100000xf32, #tpu.memory_space<hbm>>
      tpu.wait_indirect_dma semaphore(%arg7 : memref<!tpu.dma_semaphore, #tpu.memory_space<semaphore_mem>>) src(%dma_wait3A_284 : memref<100000xf32, #tpu.memory_space<hbm>>) dst(%dma_wait3A_279 : memref<1024xf32, #tpu.memory_space<vmem>>)
      %dma_wait3A_285 = arith.constant 11 : i32
      %dma_wait3A_286 = arith.constant 11 : i32
      %dma_wait3A_287 = arith.constant 0 : i32
      %dma_wait3A_288 = tpu.memref_slice %arg6[%dma_wait3A_286, %dma_wait3A_287] : memref<16x1024xf32, #tpu.memory_space<vmem>> -> memref<1x1024xf32, #tpu.memory_space<vmem>>
      %dma_wait3A_289 = tpu.memref_squeeze %dma_wait3A_288 : memref<1x1024xf32, #tpu.memory_space<vmem>> -> memref<1024xf32, #tpu.memory_space<vmem>>
      %dma_wait3A_290 = arith.constant 0 : i32
      %dma_wait3A_291 = tpu.memref_slice %arg2[%shift_right_arithmetic3A_13, %dma_wait3A_285, %dma_wait3A_290] : memref<10x16x100000xf32, #tpu.memory_space<hbm>> -> memref<1x1x100000xf32, #tpu.memory_space<hbm>>
      %dma_wait3A_292 = tpu.memref_squeeze %dma_wait3A_291 : memref<1x1x100000xf32, #tpu.memory_space<hbm>> -> memref<100000xf32, #tpu.memory_space<hbm>>
      %dma_wait3A_293 = arith.constant 0 : i32
      %dma_wait3A_294 = tpu.memref_slice %dma_wait3A_292[%dma_wait3A_293] : memref<100000xf32, #tpu.memory_space<hbm>> -> memref<100000xf32, #tpu.memory_space<hbm>>
      tpu.wait_indirect_dma semaphore(%arg7 : memref<!tpu.dma_semaphore, #tpu.memory_space<semaphore_mem>>) src(%dma_wait3A_294 : memref<100000xf32, #tpu.memory_space<hbm>>) dst(%dma_wait3A_289 : memref<1024xf32, #tpu.memory_space<vmem>>)
      %dma_wait3A_295 = arith.constant 12 : i32
      %dma_wait3A_296 = arith.constant 12 : i32
      %dma_wait3A_297 = arith.constant 0 : i32
      %dma_wait3A_298 = tpu.memref_slice %arg6[%dma_wait3A_296, %dma_wait3A_297] : memref<16x1024xf32, #tpu.memory_space<vmem>> -> memref<1x1024xf32, #tpu.memory_space<vmem>>
      %dma_wait3A_299 = tpu.memref_squeeze %dma_wait3A_298 : memref<1x1024xf32, #tpu.memory_space<vmem>> -> memref<1024xf32, #tpu.memory_space<vmem>>
      %dma_wait3A_300 = arith.constant 0 : i32
      %dma_wait3A_301 = tpu.memref_slice %arg2[%shift_right_arithmetic3A_13, %dma_wait3A_295, %dma_wait3A_300] : memref<10x16x100000xf32, #tpu.memory_space<hbm>> -> memref<1x1x100000xf32, #tpu.memory_space<hbm>>
      %dma_wait3A_302 = tpu.memref_squeeze %dma_wait3A_301 : memref<1x1x100000xf32, #tpu.memory_space<hbm>> -> memref<100000xf32, #tpu.memory_space<hbm>>
      %dma_wait3A_303 = arith.constant 0 : i32
      %dma_wait3A_304 = tpu.memref_slice %dma_wait3A_302[%dma_wait3A_303] : memref<100000xf32, #tpu.memory_space<hbm>> -> memref<100000xf32, #tpu.memory_space<hbm>>
      tpu.wait_indirect_dma semaphore(%arg7 : memref<!tpu.dma_semaphore, #tpu.memory_space<semaphore_mem>>) src(%dma_wait3A_304 : memref<100000xf32, #tpu.memory_space<hbm>>) dst(%dma_wait3A_299 : memref<1024xf32, #tpu.memory_space<vmem>>)
      %dma_wait3A_305 = arith.constant 13 : i32
      %dma_wait3A_306 = arith.constant 13 : i32
      %dma_wait3A_307 = arith.constant 0 : i32
      %dma_wait3A_308 = tpu.memref_slice %arg6[%dma_wait3A_306, %dma_wait3A_307] : memref<16x1024xf32, #tpu.memory_space<vmem>> -> memref<1x1024xf32, #tpu.memory_space<vmem>>
      %dma_wait3A_309 = tpu.memref_squeeze %dma_wait3A_308 : memref<1x1024xf32, #tpu.memory_space<vmem>> -> memref<1024xf32, #tpu.memory_space<vmem>>
      %dma_wait3A_310 = arith.constant 0 : i32
      %dma_wait3A_311 = tpu.memref_slice %arg2[%shift_right_arithmetic3A_13, %dma_wait3A_305, %dma_wait3A_310] : memref<10x16x100000xf32, #tpu.memory_space<hbm>> -> memref<1x1x100000xf32, #tpu.memory_space<hbm>>
      %dma_wait3A_312 = tpu.memref_squeeze %dma_wait3A_311 : memref<1x1x100000xf32, #tpu.memory_space<hbm>> -> memref<100000xf32, #tpu.memory_space<hbm>>
      %dma_wait3A_313 = arith.constant 0 : i32
      %dma_wait3A_314 = tpu.memref_slice %dma_wait3A_312[%dma_wait3A_313] : memref<100000xf32, #tpu.memory_space<hbm>> -> memref<100000xf32, #tpu.memory_space<hbm>>
      tpu.wait_indirect_dma semaphore(%arg7 : memref<!tpu.dma_semaphore, #tpu.memory_space<semaphore_mem>>) src(%dma_wait3A_314 : memref<100000xf32, #tpu.memory_space<hbm>>) dst(%dma_wait3A_309 : memref<1024xf32, #tpu.memory_space<vmem>>)
      %dma_wait3A_315 = arith.constant 14 : i32
      %dma_wait3A_316 = arith.constant 14 : i32
      %dma_wait3A_317 = arith.constant 0 : i32
      %dma_wait3A_318 = tpu.memref_slice %arg6[%dma_wait3A_316, %dma_wait3A_317] : memref<16x1024xf32, #tpu.memory_space<vmem>> -> memref<1x1024xf32, #tpu.memory_space<vmem>>
      %dma_wait3A_319 = tpu.memref_squeeze %dma_wait3A_318 : memref<1x1024xf32, #tpu.memory_space<vmem>> -> memref<1024xf32, #tpu.memory_space<vmem>>
      %dma_wait3A_320 = arith.constant 0 : i32
      %dma_wait3A_321 = tpu.memref_slice %arg2[%shift_right_arithmetic3A_13, %dma_wait3A_315, %dma_wait3A_320] : memref<10x16x100000xf32, #tpu.memory_space<hbm>> -> memref<1x1x100000xf32, #tpu.memory_space<hbm>>
      %dma_wait3A_322 = tpu.memref_squeeze %dma_wait3A_321 : memref<1x1x100000xf32, #tpu.memory_space<hbm>> -> memref<100000xf32, #tpu.memory_space<hbm>>
      %dma_wait3A_323 = arith.constant 0 : i32
      %dma_wait3A_324 = tpu.memref_slice %dma_wait3A_322[%dma_wait3A_323] : memref<100000xf32, #tpu.memory_space<hbm>> -> memref<100000xf32, #tpu.memory_space<hbm>>
      tpu.wait_indirect_dma semaphore(%arg7 : memref<!tpu.dma_semaphore, #tpu.memory_space<semaphore_mem>>) src(%dma_wait3A_324 : memref<100000xf32, #tpu.memory_space<hbm>>) dst(%dma_wait3A_319 : memref<1024xf32, #tpu.memory_space<vmem>>)
      %dma_wait3A_325 = arith.constant 15 : i32
      %dma_wait3A_326 = arith.constant 15 : i32
      %dma_wait3A_327 = arith.constant 0 : i32
      %dma_wait3A_328 = tpu.memref_slice %arg6[%dma_wait3A_326, %dma_wait3A_327] : memref<16x1024xf32, #tpu.memory_space<vmem>> -> memref<1x1024xf32, #tpu.memory_space<vmem>>
      %dma_wait3A_329 = tpu.memref_squeeze %dma_wait3A_328 : memref<1x1024xf32, #tpu.memory_space<vmem>> -> memref<1024xf32, #tpu.memory_space<vmem>>
      %dma_wait3A_330 = arith.constant 0 : i32
      %dma_wait3A_331 = tpu.memref_slice %arg2[%shift_right_arithmetic3A_13, %dma_wait3A_325, %dma_wait3A_330] : memref<10x16x100000xf32, #tpu.memory_space<hbm>> -> memref<1x1x100000xf32, #tpu.memory_space<hbm>>
      %dma_wait3A_332 = tpu.memref_squeeze %dma_wait3A_331 : memref<1x1x100000xf32, #tpu.memory_space<hbm>> -> memref<100000xf32, #tpu.memory_space<hbm>>
      %dma_wait3A_333 = arith.constant 0 : i32
      %dma_wait3A_334 = tpu.memref_slice %dma_wait3A_332[%dma_wait3A_333] : memref<100000xf32, #tpu.memory_space<hbm>> -> memref<100000xf32, #tpu.memory_space<hbm>>
      tpu.wait_indirect_dma semaphore(%arg7 : memref<!tpu.dma_semaphore, #tpu.memory_space<semaphore_mem>>) src(%dma_wait3A_334 : memref<100000xf32, #tpu.memory_space<hbm>>) dst(%dma_wait3A_329 : memref<1024xf32, #tpu.memory_space<vmem>>)
      %mul3A_335 = arith.constant 16 : i32
      %mul3A_336 = arith.muli %shift_right_arithmetic3A_13, %mul3A_335 : i32
      %mul3A_337 = arith.constant 1024 : i32
      %mul3A_338 = arith.muli %and3A_14, %mul3A_337 : i32
      "tpu.region"() ({
        %run_scoped3A = tpu.sem_alloc : memref<!tpu.dma_semaphore, #tpu.memory_space<semaphore_mem>>
        %dma_start3A_339 = tpu.memref_slice %arg4[%mul3A_336, %mul3A_338] : memref<160x16384xf32, #tpu.memory_space<hbm>> -> memref<16x1024xf32, #tpu.memory_space<hbm>>
        %dma_start3A_340 = tpu.memref_slice %arg4[%mul3A_336, %mul3A_338] : memref<160x16384xf32, #tpu.memory_space<hbm>> -> memref<16x1024xf32, #tpu.memory_space<hbm>>
        tpu.enqueue_dma source(%arg6 : memref<16x1024xf32, #tpu.memory_space<vmem>>) target(%dma_start3A_340 : memref<16x1024xf32, #tpu.memory_space<hbm>>) target_semaphore(%run_scoped3A : memref<!tpu.dma_semaphore, #tpu.memory_space<semaphore_mem>>)
        %dma_wait3A_341 = tpu.memref_slice %arg4[%mul3A_336, %mul3A_338] : memref<160x16384xf32, #tpu.memory_space<hbm>> -> memref<16x1024xf32, #tpu.memory_space<hbm>>
        %dma_wait3A_342 = tpu.memref_slice %arg4[%mul3A_336, %mul3A_338] : memref<160x16384xf32, #tpu.memory_space<hbm>> -> memref<16x1024xf32, #tpu.memory_space<hbm>>
        tpu.wait_dma2 semaphore(%run_scoped3A : memref<!tpu.dma_semaphore, #tpu.memory_space<semaphore_mem>>) src(%arg6 : memref<16x1024xf32, #tpu.memory_space<vmem>>) dst(%dma_wait3A_342 : memref<16x1024xf32, #tpu.memory_space<hbm>>)
        tpu.yield
      }) : () -> ()
    }
    %scan3A_4 = arith.constant 5 : i32
    return
  }
}

</mosaic_0001>

<sc_bundles>
// kernel: sc_gather.3.cloned.1.call-start
scs
__scs_entry_jumppad:
0x0: {  	(pc) =	sbr.rel $0x88, $3  }
0x1: {  	(tag) =	ssettag $0x0;
	lr =	simm.s32 $0x1  }
0x2: {  	[smem:$0x3F9F] =	sst lr;
	_ =	strace $0xD0000000  }
0x3: {  	_ = 	snop  }
0x4: {  	_ = 	snop  }
0x5: {  	_ = 	snop  }
0x6: {  	_ = 	snop  }
0x7: {  	_ = 	snop  }
__scs_overlays_trampoline_lowered:
0x8: {  	[smem:$0x3FAE] =	sst s0  }
0x9: {  	[smem:$0x3FAF] =	sst s1  }
0xa: {  	[smem:$0x3FB0] =	sst s2  }
0xb: {  	[smem:$0x3FB1] =	sst s3  }
0xc: {  	[smem:$0x3FB2] =	sst s4  }
0xd: {  	[smem:$0x3FB3] =	sst s5  }
0xe: {  	[smem:$0x3FB4] =	sst s6  }
0xf: {  	[smem:$0x3FB5] =	sst s7  }
0x10: {  	[smem:$0x3FB6] =	sst s8  }
0x11: {  	[smem:$0x3FB7] =	sst s9;
	s0 =	simm.s32 @!p0 $0x0  }
0x12: {  	s1 =	sld [smem:$0x3F9D];
	s0 =	simm.s32 @p0 $0x1  }
0x13: {  	[smem:$0x3FB8] =	sst s0;
	s0 =	simm.s32 @!p1 $0x0  }
0x14: {  	s2 =	sld [smem:$0x3F9C];
	s0 =	simm.s32 @p1 $0x1  }
0x15: {  	[smem:$0x3FB9] =	sst s0;
	s0 =	simm.s32 @!p2 $0x0  }
0x16: {  	s3 =	sld [smem:$0x3FDB];
	s0 =	simm.s32 @p2 $0x1  }
0x17: {  	s4 =	simm.s32 $0x1BF5;
	[smem:$0x3FBB] =	sst s0  }
0x18: {  	s0 =	sld [smem:$0x3F9E];
	_ =	swait.ge [sflag:s4], $0x0  }
0x19: {  	s7 =	sld [smem:$0x3F9F]  }
0x1a: {  	s8 =	sadd.s32 $0xFFFFE003, lr  }
0x1b: {  	s9 =	sadd.s32 $0xFFFFFEF7, lr;
	s5 =	simm.s32 $0xFFFFFFFF;
	p2 =	slt.u32 s8, $0xFFFFF086  }
0x1c: {  	p1 =	slt.u32 s9, $0xF7A;
	s5 =	simm.s32 @!p2 $0x0  }
0x1d: {  	s5 =	simm.s32 @p1 $0x1;
	p0 =	seq.s32 s7, s2  }
0x1e: {  	s7 =	smul.u32 @!p0 $0xF7A, s2;
	p2 =	seq.s32 @!p0 s5, $0x0  }
0x1f: {  	s9 =	smul.u32 $0xF7A, s1;
	s8 =	simm.s32 @!p0 $0x1BF5;
	p2 =	por !p2, p0  }
0x20: {  	[sflag:s8] =	ssyncset.s32 @!p0 $0xFFFFF086;
	s6 =	sadd.s32 @!p0 s3, s7;
	s7 =	simm.s32 @!p0 $0x108  }
0x21: {  	s3 =	sadd.s32 s3, s9;
	s6 =	sadd.s32 @!p0 $0x88, s6;
	s7 =	simm.s32 @p2 $0x1082  }
0x22: {  	[simem:s7], [sflag:s8] =	dma.local @!p0 [hbm:s6], $0xF7A  }
0x23: {  	s9 =	sor.u32 $0xD0000000, s2;
	s6 =	simm.s32 $0x108;
	_ =	swait.ge @!p0 [sflag:s8], $0x0  }
0x24: {  	s3 =	sadd.s32 $0x88, s3;
	s6 =	simm.s32 @!p1 $0x1082;
	[sflag:s4] =	ssyncset.s32 $0xFFFFF086  }
0x25: {  	[simem:s6], [sflag:s4] =	dma.local [hbm:s3], $0xF7A  }
0x26: {  	[smem:$0x3F9F] =	sst s1;
	(tag) =	ssettag s2;
	_ =	strace s9  }
0x27: {  	s1 =	sld [smem:$0x3FAF]  }
0x28: {  	s2 =	sld [smem:$0x3FB0]  }
0x29: {  	s4 =	sld [smem:$0x3FB2]  }
0x2a: {  	p0 =	seq.s32 s5, $0x0;
	s5 =	sld [smem:$0x3FB3]  }
0x2b: {  	s6 =	sld [smem:$0x3FB4]  }
0x2c: {  	s7 =	sld [smem:$0x3FB5]  }
0x2d: {  	s3 =	simm.s32 $0x108;
	s8 =	sld [smem:$0x3FB6]  }
0x2e: {  	s3 =	simm.s32 @!p0 $0x1082;
	s9 =	sld [smem:$0x3FB7]  }
0x2f: {  	lr =	sadd.s32 s0, s3;
	s0 =	sld [smem:$0x3FAE]  }
0x30: {  	s3 =	sld [smem:$0x3FB1]  }
0x31: {  	[smem:$0x3FBA] =	sst s10  }
0x32: {  	s10 =	sld [smem:$0x3FB8];
	_ =	sdelay $0x3  }
0x33: {  	p0 =	seq.s32 s10, $0x1;
	s10 =	sld [smem:$0x3FBA];
	_ =	sdelay $0x3  }
0x34: {  	[smem:$0x3FBA] =	sst s10  }
0x35: {  	s10 =	sld [smem:$0x3FB9];
	_ =	sdelay $0x3  }
0x36: {  	p1 =	seq.s32 s10, $0x1;
	s10 =	sld [smem:$0x3FBA];
	_ =	sdelay $0x3  }
0x37: {  	[smem:$0x3FBA] =	sst s10  }
0x38: {  	s10 =	sld [smem:$0x3FBB]  }
0x39: {  	_ = 	snop;
	(pc) =	sbr.ind lr, $3  }
0x3a: {  	_ = 	snop  }
0x3b: {  	_ = 	snop  }
0x3c: {  	p2 =	seq.s32 s10, $0x1;
	s10 =	sld [smem:$0x3FBA]  }
0x3d: {  	_ =	shalt  }
0x3e: {  	_ =	shalt  }
0x3f: {  	_ =	shalt  }
0x40: {  	_ =	shalt  }
0x41: {  	_ =	shalt  }
0x42: {  	_ =	shalt  }
0x43: {  	_ =	shalt  }
0x44: {  	_ =	shalt  }
0x45: {  	_ =	shalt  }
0x46: {  	_ =	shalt  }
0x47: {  	_ =	shalt  }
0x48: {  	_ =	shalt  }
0x49: {  	_ =	shalt  }
0x4a: {  	_ =	shalt  }
0x4b: {  	_ =	shalt  }
0x4c: {  	_ =	shalt  }
0x4d: {  	_ =	shalt  }
0x4e: {  	_ =	shalt  }
0x4f: {  	_ =	shalt  }
0x50: {  	_ =	shalt  }
0x51: {  	_ =	shalt  }
0x52: {  	_ =	shalt  }
0x53: {  	_ =	shalt  }
0x54: {  	_ =	shalt  }
0x55: {  	_ =	shalt  }
0x56: {  	_ =	shalt  }
0x57: {  	_ =	shalt  }
0x58: {  	_ =	shalt  }
0x59: {  	_ =	shalt  }
0x5a: {  	_ =	shalt  }
0x5b: {  	_ =	shalt  }
0x5c: {  	_ =	shalt  }
0x5d: {  	_ =	shalt  }
0x5e: {  	_ =	shalt  }
0x5f: {  	_ =	shalt  }
0x60: {  	_ =	shalt  }
0x61: {  	_ =	shalt  }
0x62: {  	_ =	shalt  }
0x63: {  	_ =	shalt  }
0x64: {  	_ =	shalt  }
0x65: {  	_ =	shalt  }
0x66: {  	_ =	shalt  }
0x67: {  	_ =	shalt  }
0x68: {  	_ =	shalt  }
0x69: {  	_ =	shalt  }
0x6a: {  	_ =	shalt  }
0x6b: {  	_ =	shalt  }
0x6c: {  	_ =	shalt  }
0x6d: {  	_ =	shalt  }
0x6e: {  	_ =	shalt  }
0x6f: {  	_ =	shalt  }
0x70: {  	_ =	shalt  }
0x71: {  	_ =	shalt  }
0x72: {  	_ =	shalt  }
0x73: {  	_ =	shalt  }
0x74: {  	_ =	shalt  }
0x75: {  	_ =	shalt  }
0x76: {  	_ =	shalt  }
0x77: {  	_ =	shalt  }
0x78: {  	_ =	shalt  }
0x79: {  	_ =	shalt  }
0x7a: {  	_ =	shalt  }
0x7b: {  	_ =	shalt  }
0x7c: {  	_ =	shalt  }
0x7d: {  	_ =	shalt  }
0x7e: {  	_ =	shalt  }
0x7f: {  	_ =	shalt  }
0x80: {  	_ =	shalt  }
0x81: {  	_ =	shalt  }
0x82: {  	_ =	shalt  }
0x83: {  	_ =	shalt  }
0x84: {  	_ =	shalt  }
0x85: {  	_ =	shalt  }
0x86: {  	_ =	shalt  }
0x87: {  	_ =	shalt  }
.Lfunc_end0:
.L_simem_size_0:
called_computation_lowered:
.L_overlay_start_0:
0x88: {  	s2 =	sld [smem:$0x3FD9]  }
0x89: {  	s3 =	sld [smem:$0x3FFE];
	_ =	sdelay $0x1  }
0x8a: {  	s1 =	srdreg.scid  }
0x8b: {  	s0 =	sand.u32 $0x1, s1  }
0x8c: {  	s17 =	sshll.u32 s0, $0xA;
	s2 =	sadd.s32 s3, s2  }
0x8d: {  	s2 =	sadd.s32 s2, s17  }
0x8e: {  	[smem:$0x3FC6] =	sst s2  }
0x8f: {  	_ = 	snop  }
0x90: {  	s2 =	sld [smem:$0x3FD0];
	(tm) =	ssettm $0x1  }
0x91: {  	s18 =	sld [smem:$0x3FFB];
	_ =	sdelay $0x3  }
0x92: {  	_ =	strace s18  }
0x93: {  	s3 =	sld [smem:$0x3FFC];
	_ =	sdelay $0x3  }
0x94: {  	_ =	strace s3  }
0x95: {  	s3 =	sld [smem:$0x3FFD];
	_ =	sdelay $0x3  }
0x96: {  	_ =	strace s3  }
0x97: {  	_ =	strace $0x8FFFFFFF  }
0x98: {  	s19 =	sld [smem:$0x3FDB];
	_ =	sdelay $0x1  }
0x99: {  	s4 =	simm.s32 $_scs_section_size  }
0x9a: {  	s5 =	simm.s32 $_size__tile_overlayer_lowered;
	s6 =	simm.s32 $_tile_overlayer_lowered  }
0x9b: {  	s22 =	simm.s32 $0x1BFF;
	s21 =	sshll.u32 s6, $0x1;
	s3 =	sadd.s32 s4, s19  }
0x9c: {  	s7 =	simm.s32 $0x0;
	s20 =	sshll.u32 s5, $0x1;
	s5 =	sadd.s32 s21, s3  }
0x9d: {  	[timem:s7], [sflag:s22] =	dma.local [hbm:s5], s20  }
0x9e: {  	_ =	swait.ge [sflag:s22], s20  }
0x9f: {  	s4 =	ssub.s32 $0x0, s20;
	[sflag:s22] =	ssyncset.done $0x0  }
0xa0: {  	[sflag:s22] =	ssyncadd.s32 s4;
	_ =	sdelay $0x1  }
0xa1: {  	s23 =	simm.s32 $0x1B8B  }
0xa2: {  	_ =	swait.ge [sflag:s23], $0x1  }
0xa3: {  	[sflag:s23] =	ssyncset.done $0x0  }
0xa4: {  	s25 =	simm.s32 $0x1B8E;
	s24 =	sld [smem:$0x3FFE];
	[sflag:s23] =	ssyncadd.s32 $0xFFFFFFFF  }
0xa5: {  	s26 =	simm.s32 $execute0_lowered;
	[smem:$0x3FD2] =	sst s25  }
0xa6: {  	s5 =	sshll.u32 s26, $0x1;
	_ =	strace $0x80000046;
	[dreg:$0x1] =	wrdreg $0xFFFFFFFF  }
0xa7: {  	s28 =	simm.s32 $_size_execute0_lowered;
	s3 =	sadd.s32 s3, s5;
	[dreg:$0x0] =	wrdreg $0x0  }
0xa8: {  	s5 =	sshll.u32 s28, $0x1;
	[dreg:$0x2] =	wrdreg s3  }
0xa9: {  	[dreg:$0x3] =	wrdreg s5  }
0xaa: {  	[dreg:$0x4] =	wrdreg $0xC0  }
0xab: {  	_ =	task [dreg:s7], $0x5FFFF  }
0xac: {  	[dreg:$0x1] =	wrdreg $0xFFFFFFFF  }
0xad: {  	[dreg:$0x0] =	wrdreg $0x60  }
0xae: {  	[dreg:$0x2] =	wrdreg s24  }
0xaf: {  	[dreg:$0x3] =	wrdreg s2  }
0xb0: {  	[dreg:$0x4] =	wrdreg $0x9  }
0xb1: {  	_ =	task.clear_ibuf [dreg:s7], $0x5FFFF;
	_ =	strace $0x90000046  }
0xb2: {  	s29 =	simm.s32 $0x9;
	_ =	strace $0x80000048  }
0xb3: {  	_ =	swait.ge [sflag:s29], $0x1  }
0xb4: {  	[sflag:s29] =	ssyncadd.s32 $0xFFFFFFFF  }
0xb5: {  	_ =	strace $0x90000048  }
0xb6: {  	_ =	sfence  }
0xb7: {  	s30 =	sld [smem:$0x0];
	_ =	sdelay $0x2  }
0xb8: {  	s31 =	sshll.u32 s1, $0xD;
	s1 =	sshrl.u32 s1, $0x2  }
0xb9: {  	s3 =	sand.u32 $0x4000, s31;
	s1 =	sadd.s32 s1, s30  }
0xba: {  	s0 =	sor.u32 s3, s0;
	s1 =	sshll.u32 s1, $0x11  }
0xbb: {  	s0 =	sor.u32 s1, s0  }
0xbc: {  	s0 =	sadd.s32 $0x8F2B, s0  }
0xbd: {  	[sflag:s0] =	ssyncadd.remote.s32 $0x1  }
0xbe: {  	_ =	sfence.sel $0xFFFF  }
0xbf: {  	[dreg:$0x0] =	wrdreg $0xFFFFFFFF;
	(pc) =	sbr.abs _section_cstart, $3  }
0xc0: {  	[dreg:$0x1] =	wrdreg $0xFFFFFFFF  }
0xc1: {  	_ =	task.clear_ibuf [dreg:s7], $0x2FFFF;
	_ =	strace $0x9FFFFFFF  }
0xc2: {  	(tm) =	ssettm $0x7FFFFFFF  }
0xc3: {  	_ =	shalt  }
tec
execute0_lowered:
.L_overlay_start_1:
0x0: {  	(tag) =	ssettag $0x1  }
0x1: {  	s3 =	rddreg [dreg:$0x0]  }
0x2: {  	s0 =	rddreg [dreg:$0x1]  }
0x3: {  	[dreg:$0x4] =	wrdreg s0  }
0x4: {  	s2 =	simm.s32 $0x0;
	s0 =	rddreg [dreg:$0x2]  }
0x5: {  	[smem:$0x7FF] =	sst s2;
	s6 =	sadd.s32 $0x400, s3  }
0x6: {  	s3 =	sadd.s32 $0x1E8A00, s3;
	_ =	strace $0x80000047;
	[dreg:$0x3] =	wrdreg s6  }
0x7: {  	s13 =	simm.s32 $0x800;
	[dreg:$0x5] =	wrdreg s3  }
0x8: {  	s14 =	simm.s32 $0xC00;
	[dreg:$0x7] =	wrdreg s13  }
0x9: {  	s15 =	simm.s32 $0x1000;
	[dreg:$0x8] =	wrdreg s14  }
0xa: {  	s4 =	srdreg.scid;
	s16 =	simm.s32 $0x1400;
	[dreg:$0x9] =	wrdreg s15  }
0xb: {  	s1 =	stileid.u32;
	s18 =	simm.s32 $0x1800;
	[dreg:$0xa] =	wrdreg s16  }
0xc: {  	s20 =	simm.s32 $0x1C00;
	s21 =	simm.s32 $0x2000;
	[dreg:$0xb] =	wrdreg s18  }
0xd: {  	s22 =	simm.s32 $0x2400;
	s24 =	simm.s32 $0x2800;
	[dreg:$0xc] =	wrdreg s20  }
0xe: {  	s26 =	simm.s32 $0x2C00;
	s28 =	simm.s32 $0x3000;
	[dreg:$0xd] =	wrdreg s21  }
0xf: {  	s29 =	simm.s32 $0x3400;
	s5 =	smul.u32 $0xA, s1;
	[dreg:$0xe] =	wrdreg s22  }
0x10: {  	s30 =	simm.s32 $0x3800;
	s23 =	smul.u32 $0x28000, s1;
	[dreg:$0xf] =	wrdreg s24  }
0x11: {  	s4 =	sand.u32 $0x1, s4;
	s8 =	smul.u32 $0x2800, s1;
	[dreg:$0x10] =	wrdreg s26  }
0x12: {  	s31 =	simm.s32 $0x3C00;
	s7 =	smul.u32 $0x5, s4;
	[dreg:$0x11] =	wrdreg s28  }
0x13: {  	s10 =	simm.s32 $0x0;
	s25 =	smul.u32 $0x14000, s4;
	[dreg:$0x12] =	wrdreg s29  }
0x14: {  	s17 =	ssub.s32 $0x2, s4;
	s9 =	smul.u32 $0x1400, s4;
	[dreg:$0x13] =	wrdreg s30  }
0x15: {  	s6 =	simm.s32 $0x2;
	[dreg:$0x14] =	wrdreg s31;
	s19 =	sshrl.u32 s17, $0x1  }
0x16: {  	s12 =	sadd.s32 s7, s5;
	s5 =	ssub.s32 s17, s19;
	s4 =	sadd.s32 s25, s23  }
0x17: {  	s7 =	simm.s32 $0x400;
	[dreg:$0x6] =	wrdreg s12;
	s3 =	smax.u32 s5, $0x1  }
0x18: {  	s5 =	sadd.s32 s9, s8;
	s8 =	simm.s32 $0x4000;
	s9 =	simm.s32 $0x1  }
.LBB2_1:
0x19: {  	s11 =	rddreg [dreg:$0x6]  }
0x1a: {  	s11 =	sadd.s32 $0x0, s11  }
0x1b: {  	s12 =	sshrl.u32 s11, $0x4  }
0x1c: {  	s11 =	sand.u32 $0x3C00, s5;
	s13 =	sshll.u32 s12, $0xE  }
0x1d: {  	s13 =	sor.u32 s11, s13  }
0x1e: {  	s14 =	rddreg [dreg:$0x4];
	s13 =	sshrl.u32 s13, $0x3  }
0x1f: {  	s12 =	smul.u32 $0x186A00, s12;
	s13 =	sadd.s32 s14, s13  }
0x20: {  	[tilespmem:s2], [sflag:$0x2] =	stream.linear.gather [hbm4b:s13+s2], $0x400, $0x38;
	[tilespmem:$0x4400] =	vst v63  }
0x21: {  	_ =	swait.ge [sflag:s6], $0x400  }
0x22: {  	s12 =	sshrl.u32 s12, $0x3;
	s16 =	rddreg [dreg:$0x3];
	[sflag:s6] =	ssyncset.done $0x0  }
0x23: {  	[sflag:s6] =	ssyncadd.s32 $0xFFFFFC00;
	s12 =	sadd.s32 s16, s12  }
0x24: {  	[tilespmem:s7], [sflag:$0x1] =	stream.indirect.gather [hbm4b:s12+s7], $0x1, s2, s7, $0xb8;
	[tilespmem:$0x4400] =	vst v63  }
0x25: {  	s17 =	rddreg [dreg:$0x7];
	s18 =	sadd.s32 $0x30D4, s12  }
0x26: {  	[tilespmem:s17], [sflag:$0x1] =	stream.indirect.gather [hbm4b:s18+s7], $0x1, s2, s7, $0xb8;
	[tilespmem:$0x4400] =	vst v63  }
0x27: {  	s15 =	rddreg [dreg:$0x8];
	s19 =	sadd.s32 $0x61A8, s12  }
0x28: {  	[tilespmem:s15], [sflag:$0x1] =	stream.indirect.gather [hbm4b:s19+s7], $0x1, s2, s7, $0xb8;
	[tilespmem:$0x4400] =	vst v63  }
0x29: {  	s20 =	rddreg [dreg:$0x9];
	s21 =	sadd.s32 $0x927C, s12  }
0x2a: {  	[tilespmem:s20], [sflag:$0x1] =	stream.indirect.gather [hbm4b:s21+s7], $0x1, s2, s7, $0xb8;
	[tilespmem:$0x4400] =	vst v63  }
0x2b: {  	s22 =	rddreg [dreg:$0xa];
	s23 =	sadd.s32 $0xC350, s12  }
0x2c: {  	[tilespmem:s22], [sflag:$0x1] =	stream.indirect.gather [hbm4b:s23+s7], $0x1, s2, s7, $0xb8;
	[tilespmem:$0x4400] =	vst v63  }
0x2d: {  	s24 =	rddreg [dreg:$0xb];
	s25 =	sadd.s32 $0xF424, s12  }
0x2e: {  	[tilespmem:s24], [sflag:$0x1] =	stream.indirect.gather [hbm4b:s25+s7], $0x1, s2, s7, $0xb8;
	[tilespmem:$0x4400] =	vst v63  }
0x2f: {  	s26 =	rddreg [dreg:$0xc];
	s28 =	sadd.s32 $0x124F8, s12  }
0x30: {  	[tilespmem:s26], [sflag:$0x1] =	stream.indirect.gather [hbm4b:s28+s7], $0x1, s2, s7, $0xb8;
	[tilespmem:$0x4400] =	vst v63  }
0x31: {  	s29 =	rddreg [dreg:$0xd];
	s30 =	sadd.s32 $0x155CC, s12  }
0x32: {  	[tilespmem:s29], [sflag:$0x1] =	stream.indirect.gather [hbm4b:s30+s7], $0x1, s2, s7, $0xb8;
	[tilespmem:$0x4400] =	vst v63  }
0x33: {  	s31 =	rddreg [dreg:$0xe];
	s16 =	sadd.s32 $0x186A0, s12  }
0x34: {  	[tilespmem:s31], [sflag:$0x1] =	stream.indirect.gather [hbm4b:s16+s7], $0x1, s2, s7, $0xb8;
	[tilespmem:$0x4400] =	vst v63  }
0x35: {  	s17 =	rddreg [dreg:$0xf];
	s18 =	sadd.s32 $0x1B774, s12  }
0x36: {  	[tilespmem:s17], [sflag:$0x1] =	stream.indirect.gather [hbm4b:s18+s7], $0x1, s2, s7, $0xb8;
	[tilespmem:$0x4400] =	vst v63  }
0x37: {  	s19 =	rddreg [dreg:$0x10];
	s20 =	sadd.s32 $0x1E848, s12  }
0x38: {  	[tilespmem:s19], [sflag:$0x1] =	stream.indirect.gather [hbm4b:s20+s7], $0x1, s2, s7, $0xb8;
	[tilespmem:$0x4400] =	vst v63  }
0x39: {  	s21 =	rddreg [dreg:$0x11];
	s22 =	sadd.s32 $0x2191C, s12  }
0x3a: {  	[tilespmem:s21], [sflag:$0x1] =	stream.indirect.gather [hbm4b:s22+s7], $0x1, s2, s7, $0xb8;
	[tilespmem:$0x4400] =	vst v63  }
0x3b: {  	s23 =	rddreg [dreg:$0x12];
	s24 =	sadd.s32 $0x249F0, s12  }
0x3c: {  	[tilespmem:s23], [sflag:$0x1] =	stream.indirect.gather [hbm4b:s24+s7], $0x1, s2, s7, $0xb8;
	[tilespmem:$0x4400] =	vst v63  }
0x3d: {  	s25 =	rddreg [dreg:$0x13];
	s26 =	sadd.s32 $0x27AC4, s12  }
0x3e: {  	[tilespmem:s25], [sflag:$0x1] =	stream.indirect.gather [hbm4b:s26+s7], $0x1, s2, s7, $0xb8;
	[tilespmem:$0x4400] =	vst v63  }
0x3f: {  	s28 =	rddreg [dreg:$0x14];
	s29 =	sadd.s32 $0x2AB98, s12  }
0x40: {  	[tilespmem:s28], [sflag:$0x1] =	stream.indirect.gather [hbm4b:s29+s7], $0x1, s2, s7, $0xb8;
	[tilespmem:$0x4400] =	vst v63  }
0x41: {  	s12 =	sadd.s32 $0x2DC6C, s12  }
0x42: {  	[tilespmem:s8], [sflag:$0x1] =	stream.indirect.gather [hbm4b:s12+s7], $0x1, s2, s7, $0xb8;
	[tilespmem:$0x4400] =	vst v63  }
0x43: {  	_ =	swait.ge [sflag:s9], $0x400  }
0x44: {  	[sflag:s9] =	ssyncset.done $0x0  }
0x45: {  	[sflag:s9] =	ssyncadd.s32 $0xFFFFFC00  }
0x46: {  	_ =	swait.ge [sflag:s9], $0x400  }
0x47: {  	[sflag:s9] =	ssyncset.done $0x0  }
0x48: {  	[sflag:s9] =	ssyncadd.s32 $0xFFFFFC00  }
0x49: {  	_ =	swait.ge [sflag:s9], $0x400  }
0x4a: {  	[sflag:s9] =	ssyncset.done $0x0  }
0x4b: {  	[sflag:s9] =	ssyncadd.s32 $0xFFFFFC00  }
0x4c: {  	_ =	swait.ge [sflag:s9], $0x400  }
0x4d: {  	[sflag:s9] =	ssyncset.done $0x0  }
0x4e: {  	[sflag:s9] =	ssyncadd.s32 $0xFFFFFC00  }
0x4f: {  	_ =	swait.ge [sflag:s9], $0x400  }
0x50: {  	[sflag:s9] =	ssyncset.done $0x0  }
0x51: {  	[sflag:s9] =	ssyncadd.s32 $0xFFFFFC00  }
0x52: {  	_ =	swait.ge [sflag:s9], $0x400  }
0x53: {  	[sflag:s9] =	ssyncset.done $0x0  }
0x54: {  	[sflag:s9] =	ssyncadd.s32 $0xFFFFFC00  }
0x55: {  	_ =	swait.ge [sflag:s9], $0x400  }
0x56: {  	[sflag:s9] =	ssyncset.done $0x0  }
0x57: {  	[sflag:s9] =	ssyncadd.s32 $0xFFFFFC00  }
0x58: {  	_ =	swait.ge [sflag:s9], $0x400  }
0x59: {  	[sflag:s9] =	ssyncset.done $0x0  }
0x5a: {  	[sflag:s9] =	ssyncadd.s32 $0xFFFFFC00  }
0x5b: {  	_ =	swait.ge [sflag:s9], $0x400  }
0x5c: {  	[sflag:s9] =	ssyncset.done $0x0  }
0x5d: {  	[sflag:s9] =	ssyncadd.s32 $0xFFFFFC00  }
0x5e: {  	_ =	swait.ge [sflag:s9], $0x400  }
0x5f: {  	[sflag:s9] =	ssyncset.done $0x0  }
0x60: {  	[sflag:s9] =	ssyncadd.s32 $0xFFFFFC00  }
0x61: {  	_ =	swait.ge [sflag:s9], $0x400  }
0x62: {  	[sflag:s9] =	ssyncset.done $0x0  }
0x63: {  	[sflag:s9] =	ssyncadd.s32 $0xFFFFFC00  }
0x64: {  	_ =	swait.ge [sflag:s9], $0x400  }
0x65: {  	[sflag:s9] =	ssyncset.done $0x0  }
0x66: {  	[sflag:s9] =	ssyncadd.s32 $0xFFFFFC00  }
0x67: {  	_ =	swait.ge [sflag:s9], $0x400  }
0x68: {  	[sflag:s9] =	ssyncset.done $0x0  }
0x69: {  	[sflag:s9] =	ssyncadd.s32 $0xFFFFFC00  }
0x6a: {  	_ =	swait.ge [sflag:s9], $0x400  }
0x6b: {  	[sflag:s9] =	ssyncset.done $0x0  }
0x6c: {  	[sflag:s9] =	ssyncadd.s32 $0xFFFFFC00  }
0x6d: {  	_ =	swait.ge [sflag:s9], $0x400  }
0x6e: {  	[sflag:s9] =	ssyncset.done $0x0  }
0x6f: {  	s30 =	sand.u32 $0x7FFC0000, s4;
	[sflag:s9] =	ssyncadd.s32 $0xFFFFFC00  }
0x70: {  	s11 =	sor.u32 s11, s30;
	_ =	swait.ge [sflag:s9], $0x400  }
0x71: {  	s11 =	sshrl.u32 s11, $0x3;
	s31 =	rddreg [dreg:$0x5];
	[sflag:s9] =	ssyncset.done $0x0  }
0x72: {  	s14 =	smov.u32 s5;
	[sflag:s9] =	ssyncadd.s32 $0xFFFFFC00;
	s11 =	sadd.s32 s31, s11  }
0x73: {  	[hbm4b:s11+s7] =	stream.strided.scatter [tilespmem:s7], [sflag:$0x2], $0x4000, s8, s7, $0x38;
	[tilespmem:$0x4400] =	vst v63  }
0x74: {  	s13 =	simm.s32 $0x2;
	s12 =	simm.s32 $0x1;
	_ =	swait.ge [sflag:s6], $0x4000  }
0x75: {  	s11 =	smov.u32 s4;
	s15 =	rddreg [dreg:$0x6];
	[sflag:s6] =	ssyncset.done $0x0  }
.LBB2_2:
0x76: {  	s15 =	sadd.s32 s12, s15  }
0x77: {  	s14 =	sadd.s32 $0x400, s14;
	s15 =	sshrl.u32 s15, $0x4  }
0x78: {  	s22 =	sand.u32 $0x3C00, s14;
	s18 =	sshll.u32 s15, $0xE  }
0x79: {  	[sflag:s6] =	ssyncadd.s32 $0xFFFFC000;
	s18 =	sor.u32 s22, s18  }
0x7a: {  	s16 =	smov.u32 s13;
	s19 =	rddreg [dreg:$0x4];
	s23 =	sshrl.u32 s18, $0x3  }
0x7b: {  	s12 =	smov.u32 s16;
	s20 =	smul.u32 $0x186A00, s15;
	s16 =	sadd.s32 s19, s23  }
0x7c: {  	[tilespmem:s2], [sflag:$0x2] =	stream.linear.gather [hbm4b:s16+s2], $0x400, $0x38;
	[tilespmem:$0x4400] =	vst v63  }
0x7d: {  	_ =	swait.ge [sflag:s6], $0x400  }
0x7e: {  	s25 =	sshrl.u32 s20, $0x3;
	s24 =	rddreg [dreg:$0x3];
	[sflag:s6] =	ssyncset.done $0x0  }
0x7f: {  	[sflag:s6] =	ssyncadd.s32 $0xFFFFFC00;
	s16 =	sadd.s32 s24, s25  }
0x80: {  	[tilespmem:s7], [sflag:$0x1] =	stream.indirect.gather [hbm4b:s16+s7], $0x1, s2, s7, $0xb8;
	[tilespmem:$0x4400] =	vst v63  }
0x81: {  	s26 =	rddreg [dreg:$0x7];
	s28 =	sadd.s32 $0x30D4, s16  }
0x82: {  	[tilespmem:s26], [sflag:$0x1] =	stream.indirect.gather [hbm4b:s28+s7], $0x1, s2, s7, $0xb8;
	[tilespmem:$0x4400] =	vst v63  }
0x83: {  	s29 =	rddreg [dreg:$0x8];
	s30 =	sadd.s32 $0x61A8, s16  }
0x84: {  	[tilespmem:s29], [sflag:$0x1] =	stream.indirect.gather [hbm4b:s30+s7], $0x1, s2, s7, $0xb8;
	[tilespmem:$0x4400] =	vst v63  }
0x85: {  	s11 =	sadd.s32 $0x4000, s11;
	s31 =	rddreg [dreg:$0x9];
	s19 =	sadd.s32 $0x927C, s16  }
0x86: {  	[tilespmem:s31], [sflag:$0x1] =	stream.indirect.gather [hbm4b:s19+s7], $0x1, s2, s7, $0xb8;
	[tilespmem:$0x4400] =	vst v63  }
0x87: {  	s17 =	sand.u32 $0x7FFC0000, s11;
	s20 =	rddreg [dreg:$0xa];
	s21 =	sadd.s32 $0xC350, s16  }
0x88: {  	[tilespmem:s20], [sflag:$0x1] =	stream.indirect.gather [hbm4b:s21+s7], $0x1, s2, s7, $0xb8;
	[tilespmem:$0x4400] =	vst v63  }
0x89: {  	s15 =	sor.u32 s22, s17;
	s22 =	rddreg [dreg:$0xb];
	s23 =	sadd.s32 $0xF424, s16  }
0x8a: {  	[tilespmem:s22], [sflag:$0x1] =	stream.indirect.gather [hbm4b:s23+s7], $0x1, s2, s7, $0xb8;
	[tilespmem:$0x4400] =	vst v63  }
0x8b: {  	s24 =	rddreg [dreg:$0xc];
	s25 =	sadd.s32 $0x124F8, s16  }
0x8c: {  	[tilespmem:s24], [sflag:$0x1] =	stream.indirect.gather [hbm4b:s25+s7], $0x1, s2, s7, $0xb8;
	[tilespmem:$0x4400] =	vst v63  }
0x8d: {  	s26 =	rddreg [dreg:$0xd];
	s28 =	sadd.s32 $0x155CC, s16  }
0x8e: {  	[tilespmem:s26], [sflag:$0x1] =	stream.indirect.gather [hbm4b:s28+s7], $0x1, s2, s7, $0xb8;
	[tilespmem:$0x4400] =	vst v63  }
0x8f: {  	s29 =	rddreg [dreg:$0xe];
	s30 =	sadd.s32 $0x186A0, s16  }
0x90: {  	[tilespmem:s29], [sflag:$0x1] =	stream.indirect.gather [hbm4b:s30+s7], $0x1, s2, s7, $0xb8;
	[tilespmem:$0x4400] =	vst v63  }
0x91: {  	s31 =	rddreg [dreg:$0xf];
	s19 =	sadd.s32 $0x1B774, s16  }
0x92: {  	[tilespmem:s31], [sflag:$0x1] =	stream.indirect.gather [hbm4b:s19+s7], $0x1, s2, s7, $0xb8;
	[tilespmem:$0x4400] =	vst v63  }
0x93: {  	s20 =	rddreg [dreg:$0x10];
	s21 =	sadd.s32 $0x1E848, s16  }
0x94: {  	[tilespmem:s20], [sflag:$0x1] =	stream.indirect.gather [hbm4b:s21+s7], $0x1, s2, s7, $0xb8;
	[tilespmem:$0x4400] =	vst v63  }
0x95: {  	s22 =	rddreg [dreg:$0x11];
	s23 =	sadd.s32 $0x2191C, s16  }
0x96: {  	[tilespmem:s22], [sflag:$0x1] =	stream.indirect.gather [hbm4b:s23+s7], $0x1, s2, s7, $0xb8;
	[tilespmem:$0x4400] =	vst v63  }
0x97: {  	s24 =	rddreg [dreg:$0x12];
	s25 =	sadd.s32 $0x249F0, s16  }
0x98: {  	[tilespmem:s24], [sflag:$0x1] =	stream.indirect.gather [hbm4b:s25+s7], $0x1, s2, s7, $0xb8;
	[tilespmem:$0x4400] =	vst v63  }
0x99: {  	s26 =	rddreg [dreg:$0x13];
	s28 =	sadd.s32 $0x27AC4, s16  }
0x9a: {  	[tilespmem:s26], [sflag:$0x1] =	stream.indirect.gather [hbm4b:s28+s7], $0x1, s2, s7, $0xb8;
	[tilespmem:$0x4400] =	vst v63  }
0x9b: {  	s29 =	rddreg [dreg:$0x14];
	s30 =	sadd.s32 $0x2AB98, s16  }
0x9c: {  	[tilespmem:s29], [sflag:$0x1] =	stream.indirect.gather [hbm4b:s30+s7], $0x1, s2, s7, $0xb8;
	[tilespmem:$0x4400] =	vst v63  }
0x9d: {  	s16 =	sadd.s32 $0x2DC6C, s16  }
0x9e: {  	[tilespmem:s8], [sflag:$0x1] =	stream.indirect.gather [hbm4b:s16+s7], $0x1, s2, s7, $0xb8;
	[tilespmem:$0x4400] =	vst v63  }
0x9f: {  	_ =	swait.ge [sflag:s9], $0x400  }
0xa0: {  	[sflag:s9] =	ssyncset.done $0x0  }
0xa1: {  	[sflag:s9] =	ssyncadd.s32 $0xFFFFFC00  }
0xa2: {  	_ =	swait.ge [sflag:s9], $0x400  }
0xa3: {  	[sflag:s9] =	ssyncset.done $0x0  }
0xa4: {  	[sflag:s9] =	ssyncadd.s32 $0xFFFFFC00  }
0xa5: {  	_ =	swait.ge [sflag:s9], $0x400  }
0xa6: {  	[sflag:s9] =	ssyncset.done $0x0  }
0xa7: {  	[sflag:s9] =	ssyncadd.s32 $0xFFFFFC00  }
0xa8: {  	_ =	swait.ge [sflag:s9], $0x400  }
0xa9: {  	[sflag:s9] =	ssyncset.done $0x0  }
0xaa: {  	[sflag:s9] =	ssyncadd.s32 $0xFFFFFC00  }
0xab: {  	_ =	swait.ge [sflag:s9], $0x400  }
0xac: {  	[sflag:s9] =	ssyncset.done $0x0  }
0xad: {  	[sflag:s9] =	ssyncadd.s32 $0xFFFFFC00  }
0xae: {  	_ =	swait.ge [sflag:s9], $0x400  }
0xaf: {  	[sflag:s9] =	ssyncset.done $0x0  }
0xb0: {  	[sflag:s9] =	ssyncadd.s32 $0xFFFFFC00  }
0xb1: {  	_ =	swait.ge [sflag:s9], $0x400  }
0xb2: {  	[sflag:s9] =	ssyncset.done $0x0  }
0xb3: {  	[sflag:s9] =	ssyncadd.s32 $0xFFFFFC00  }
0xb4: {  	_ =	swait.ge [sflag:s9], $0x400  }
0xb5: {  	[sflag:s9] =	ssyncset.done $0x0  }
0xb6: {  	[sflag:s9] =	ssyncadd.s32 $0xFFFFFC00  }
0xb7: {  	_ =	swait.ge [sflag:s9], $0x400  }
0xb8: {  	[sflag:s9] =	ssyncset.done $0x0  }
0xb9: {  	[sflag:s9] =	ssyncadd.s32 $0xFFFFFC00  }
0xba: {  	_ =	swait.ge [sflag:s9], $0x400  }
0xbb: {  	[sflag:s9] =	ssyncset.done $0x0  }
0xbc: {  	[sflag:s9] =	ssyncadd.s32 $0xFFFFFC00  }
0xbd: {  	_ =	swait.ge [sflag:s9], $0x400  }
0xbe: {  	[sflag:s9] =	ssyncset.done $0x0  }
0xbf: {  	[sflag:s9] =	ssyncadd.s32 $0xFFFFFC00  }
0xc0: {  	_ =	swait.ge [sflag:s9], $0x400  }
0xc1: {  	[sflag:s9] =	ssyncset.done $0x0  }
0xc2: {  	[sflag:s9] =	ssyncadd.s32 $0xFFFFFC00  }
0xc3: {  	_ =	swait.ge [sflag:s9], $0x400  }
0xc4: {  	[sflag:s9] =	ssyncset.done $0x0  }
0xc5: {  	[sflag:s9] =	ssyncadd.s32 $0xFFFFFC00  }
0xc6: {  	_ =	swait.ge [sflag:s9], $0x400  }
0xc7: {  	[sflag:s9] =	ssyncset.done $0x0  }
0xc8: {  	[sflag:s9] =	ssyncadd.s32 $0xFFFFFC00  }
0xc9: {  	_ =	swait.ge [sflag:s9], $0x400  }
0xca: {  	[sflag:s9] =	ssyncset.done $0x0  }
0xcb: {  	[sflag:s9] =	ssyncadd.s32 $0xFFFFFC00  }
0xcc: {  	p0 =	sne.s32 s13, $0x4;
	s15 =	sshrl.u32 s15, $0x3;
	_ =	swait.ge [sflag:s9], $0x400  }
.Ltmp0:
0xcd: {  	s31 =	rddreg [dreg:$0x5];
	[sflag:s9] =	ssyncset.done $0x0;
	(pc) =	sbr.rel @p0 .LBB2_2-.Ltmp0, $4  }
0xce: {  	[sflag:s9] =	ssyncadd.s32 $0xFFFFFC00;
	s15 =	sadd.s32 s31, s15  }
0xcf: {  	[hbm4b:s15+s7] =	stream.strided.scatter [tilespmem:s7], [sflag:$0x2], $0x4000, s8, s7, $0x38;
	[tilespmem:$0x4400] =	vst v63  }
0xd0: {  	_ =	swait.ge [sflag:s6], $0x4000  }
0xd1: {  	s13 =	sadd.s32 $0x1, s13;
	s15 =	rddreg [dreg:$0x6];
	[sflag:s6] =	ssyncset.done $0x0  }
0xd2: {  	s12 =	sadd.s32 s12, s15  }
0xd3: {  	s13 =	sadd.s32 $0x400, s14;
	s29 =	sshrl.u32 s12, $0x4  }
0xd4: {  	s12 =	sand.u32 $0x3C00, s13;
	s30 =	sshll.u32 s29, $0xE  }
0xd5: {  	s13 =	sor.u32 s12, s30  }
0xd6: {  	s31 =	rddreg [dreg:$0x4];
	s13 =	sshrl.u32 s13, $0x3  }
0xd7: {  	[sflag:s6] =	ssyncadd.s32 $0xFFFFC000;
	s15 =	smul.u32 $0x186A00, s29;
	s13 =	sadd.s32 s31, s13  }
0xd8: {  	[tilespmem:s2], [sflag:$0x2] =	stream.linear.gather [hbm4b:s13+s2], $0x400, $0x38;
	[tilespmem:$0x4400] =	vst v63  }
0xd9: {  	_ =	swait.ge [sflag:s6], $0x400  }
0xda: {  	s13 =	sshrl.u32 s15, $0x3;
	s16 =	rddreg [dreg:$0x3];
	[sflag:s6] =	ssyncset.done $0x0  }
0xdb: {  	[sflag:s6] =	ssyncadd.s32 $0xFFFFFC00;
	s13 =	sadd.s32 s16, s13  }
0xdc: {  	[tilespmem:s7], [sflag:$0x1] =	stream.indirect.gather [hbm4b:s13+s7], $0x1, s2, s7, $0xb8;
	[tilespmem:$0x4400] =	vst v63  }
0xdd: {  	s17 =	rddreg [dreg:$0x7];
	s18 =	sadd.s32 $0x30D4, s13  }
0xde: {  	[tilespmem:s17], [sflag:$0x1] =	stream.indirect.gather [hbm4b:s18+s7], $0x1, s2, s7, $0xb8;
	[tilespmem:$0x4400] =	vst v63  }
0xdf: {  	s16 =	rddreg [dreg:$0x8];
	s19 =	sadd.s32 $0x61A8, s13  }
0xe0: {  	[tilespmem:s16], [sflag:$0x1] =	stream.indirect.gather [hbm4b:s19+s7], $0x1, s2, s7, $0xb8;
	[tilespmem:$0x4400] =	vst v63  }
0xe1: {  	s20 =	rddreg [dreg:$0x9];
	s21 =	sadd.s32 $0x927C, s13  }
0xe2: {  	[tilespmem:s20], [sflag:$0x1] =	stream.indirect.gather [hbm4b:s21+s7], $0x1, s2, s7, $0xb8;
	[tilespmem:$0x4400] =	vst v63  }
0xe3: {  	s22 =	rddreg [dreg:$0xa];
	s23 =	sadd.s32 $0xC350, s13  }
0xe4: {  	[tilespmem:s22], [sflag:$0x1] =	stream.indirect.gather [hbm4b:s23+s7], $0x1, s2, s7, $0xb8;
	[tilespmem:$0x4400] =	vst v63  }
0xe5: {  	s24 =	rddreg [dreg:$0xb];
	s25 =	sadd.s32 $0xF424, s13  }
0xe6: {  	[tilespmem:s24], [sflag:$0x1] =	stream.indirect.gather [hbm4b:s25+s7], $0x1, s2, s7, $0xb8;
	[tilespmem:$0x4400] =	vst v63  }
0xe7: {  	s26 =	rddreg [dreg:$0xc];
	s28 =	sadd.s32 $0x124F8, s13  }
0xe8: {  	[tilespmem:s26], [sflag:$0x1] =	stream.indirect.gather [hbm4b:s28+s7], $0x1, s2, s7, $0xb8;
	[tilespmem:$0x4400] =	vst v63  }
0xe9: {  	s29 =	rddreg [dreg:$0xd];
	s30 =	sadd.s32 $0x155CC, s13  }
0xea: {  	[tilespmem:s29], [sflag:$0x1] =	stream.indirect.gather [hbm4b:s30+s7], $0x1, s2, s7, $0xb8;
	[tilespmem:$0x4400] =	vst v63  }
0xeb: {  	s31 =	rddreg [dreg:$0xe];
	s17 =	sadd.s32 $0x186A0, s13  }
0xec: {  	[tilespmem:s31], [sflag:$0x1] =	stream.indirect.gather [hbm4b:s17+s7], $0x1, s2, s7, $0xb8;
	[tilespmem:$0x4400] =	vst v63  }
0xed: {  	s18 =	rddreg [dreg:$0xf];
	s19 =	sadd.s32 $0x1B774, s13  }
0xee: {  	[tilespmem:s18], [sflag:$0x1] =	stream.indirect.gather [hbm4b:s19+s7], $0x1, s2, s7, $0xb8;
	[tilespmem:$0x4400] =	vst v63  }
0xef: {  	s20 =	rddreg [dreg:$0x10];
	s21 =	sadd.s32 $0x1E848, s13  }
0xf0: {  	[tilespmem:s20], [sflag:$0x1] =	stream.indirect.gather [hbm4b:s21+s7], $0x1, s2, s7, $0xb8;
	[tilespmem:$0x4400] =	vst v63  }
0xf1: {  	s22 =	rddreg [dreg:$0x11];
	s23 =	sadd.s32 $0x2191C, s13  }
0xf2: {  	[tilespmem:s22], [sflag:$0x1] =	stream.indirect.gather [hbm4b:s23+s7], $0x1, s2, s7, $0xb8;
	[tilespmem:$0x4400] =	vst v63  }
0xf3: {  	s24 =	rddreg [dreg:$0x12];
	s25 =	sadd.s32 $0x249F0, s13  }
0xf4: {  	[tilespmem:s24], [sflag:$0x1] =	stream.indirect.gather [hbm4b:s25+s7], $0x1, s2, s7, $0xb8;
	[tilespmem:$0x4400] =	vst v63  }
0xf5: {  	s26 =	rddreg [dreg:$0x13];
	s28 =	sadd.s32 $0x27AC4, s13  }
0xf6: {  	[tilespmem:s26], [sflag:$0x1] =	stream.indirect.gather [hbm4b:s28+s7], $0x1, s2, s7, $0xb8;
	[tilespmem:$0x4400] =	vst v63  }
0xf7: {  	s29 =	rddreg [dreg:$0x14];
	s30 =	sadd.s32 $0x2AB98, s13  }
0xf8: {  	[tilespmem:s29], [sflag:$0x1] =	stream.indirect.gather [hbm4b:s30+s7], $0x1, s2, s7, $0xb8;
	[tilespmem:$0x4400] =	vst v63  }
0xf9: {  	s13 =	sadd.s32 $0x2DC6C, s13  }
0xfa: {  	[tilespmem:s8], [sflag:$0x1] =	stream.indirect.gather [hbm4b:s13+s7], $0x1, s2, s7, $0xb8;
	[tilespmem:$0x4400] =	vst v63  }
0xfb: {  	_ =	swait.ge [sflag:s9], $0x400  }
0xfc: {  	[sflag:s9] =	ssyncset.done $0x0  }
0xfd: {  	[sflag:s9] =	ssyncadd.s32 $0xFFFFFC00  }
0xfe: {  	_ =	swait.ge [sflag:s9], $0x400  }
0xff: {  	[sflag:s9] =	ssyncset.done $0x0  }
0x100: {  	[sflag:s9] =	ssyncadd.s32 $0xFFFFFC00  }
0x101: {  	_ =	swait.ge [sflag:s9], $0x400  }
0x102: {  	[sflag:s9] =	ssyncset.done $0x0  }
0x103: {  	[sflag:s9] =	ssyncadd.s32 $0xFFFFFC00  }
0x104: {  	_ =	swait.ge [sflag:s9], $0x400  }
0x105: {  	[sflag:s9] =	ssyncset.done $0x0  }
0x106: {  	[sflag:s9] =	ssyncadd.s32 $0xFFFFFC00  }
0x107: {  	_ =	swait.ge [sflag:s9], $0x400  }
0x108: {  	[sflag:s9] =	ssyncset.done $0x0  }
0x109: {  	[sflag:s9] =	ssyncadd.s32 $0xFFFFFC00  }
0x10a: {  	_ =	swait.ge [sflag:s9], $0x400  }
0x10b: {  	[sflag:s9] =	ssyncset.done $0x0  }
0x10c: {  	[sflag:s9] =	ssyncadd.s32 $0xFFFFFC00  }
0x10d: {  	_ =	swait.ge [sflag:s9], $0x400  }
0x10e: {  	[sflag:s9] =	ssyncset.done $0x0  }
0x10f: {  	[sflag:s9] =	ssyncadd.s32 $0xFFFFFC00  }
0x110: {  	_ =	swait.ge [sflag:s9], $0x400  }
0x111: {  	[sflag:s9] =	ssyncset.done $0x0  }
0x112: {  	[sflag:s9] =	ssyncadd.s32 $0xFFFFFC00  }
0x113: {  	_ =	swait.ge [sflag:s9], $0x400  }
0x114: {  	[sflag:s9] =	ssyncset.done $0x0  }
0x115: {  	[sflag:s9] =	ssyncadd.s32 $0xFFFFFC00  }
0x116: {  	_ =	swait.ge [sflag:s9], $0x400  }
0x117: {  	[sflag:s9] =	ssyncset.done $0x0  }
0x118: {  	[sflag:s9] =	ssyncadd.s32 $0xFFFFFC00  }
0x119: {  	_ =	swait.ge [sflag:s9], $0x400  }
0x11a: {  	[sflag:s9] =	ssyncset.done $0x0  }
0x11b: {  	[sflag:s9] =	ssyncadd.s32 $0xFFFFFC00  }
0x11c: {  	_ =	swait.ge [sflag:s9], $0x400  }
0x11d: {  	[sflag:s9] =	ssyncset.done $0x0  }
0x11e: {  	[sflag:s9] =	ssyncadd.s32 $0xFFFFFC00  }
0x11f: {  	_ =	swait.ge [sflag:s9], $0x400  }
0x120: {  	[sflag:s9] =	ssyncset.done $0x0  }
0x121: {  	[sflag:s9] =	ssyncadd.s32 $0xFFFFFC00  }
0x122: {  	_ =	swait.ge [sflag:s9], $0x400  }
0x123: {  	[sflag:s9] =	ssyncset.done $0x0  }
0x124: {  	[sflag:s9] =	ssyncadd.s32 $0xFFFFFC00  }
0x125: {  	_ =	swait.ge [sflag:s9], $0x400  }
0x126: {  	s11 =	sadd.s32 $0x4000, s11;
	[sflag:s9] =	ssyncset.done $0x0  }
0x127: {  	s10 =	sadd.s32 $0x1, s10;
	s11 =	sand.u32 $0x7FFC0000, s11;
	[sflag:s9] =	ssyncadd.s32 $0xFFFFFC00  }
0x128: {  	p0 =	sne.s32 s10, s3;
	s11 =	sor.u32 s12, s11;
	_ =	swait.ge [sflag:s9], $0x400  }
0x129: {  	s11 =	sshrl.u32 s11, $0x3;
	s31 =	rddreg [dreg:$0x5];
	[sflag:s9] =	ssyncset.done $0x0  }
.Ltmp1:
0x12a: {  	[sflag:s9] =	ssyncadd.s32 $0xFFFFFC00;
	s11 =	sadd.s32 s31, s11;
	(pc) =	sbr.rel @p0 .LBB2_1-.Ltmp1, $4  }
0x12b: {  	[hbm4b:s11+s7] =	stream.strided.scatter [tilespmem:s7], [sflag:$0x2], $0x4000, s8, s7, $0x38;
	[tilespmem:$0x4400] =	vst v63  }
0x12c: {  	_ =	swait.ge [sflag:s6], $0x4000  }
0x12d: {  	[sflag:s6] =	ssyncset.done $0x0  }
0x12e: {  	[sflag:s6] =	ssyncadd.s32 $0xFFFFC000  }
0x12f: {  	_ =	sfence.sel $0x180000  }
0x130: {  	[bflag:$0x0] =	sbarrier.arrive $0xFFFF  }
0x131: {  	p0 =	sne.s32 s1, $0x0;
	_ =	strace $0x90000047  }
0x132: {  	s0 =	sadd.s32 @!p0 $0x100000, s0;
	[bflag:$0x2] =	sbarrier.arrive $0xFFFF  }
0x133: {  	[sflag:s0] =	ssyncadd.tile.s32 @!p0 $0x1;
	_ =	shalt  }
.Lfunc_end2:
_tile_overlayer_lowered:
.L_overlay_start_2:
0x134: {  	(tag) =	ssettag $0x2  }
0x135: {  	s0 =	rddreg [dreg:$0x0];
	s2 =	stileid.u32  }
0x136: {  	s1 =	rddreg [dreg:$0x1];
	p0 =	sne.s32 s2, $0x0  }
0x137: {  	s3 =	rddreg [dreg:$0x2];
	[bflag:$0x3] =	sbarrier.arrive $0xFFFF;
	s2 =	simm.s32 @!p0 $0x1C02  }
0x138: {  	[timem:s3], [sflag:s2] =	dma.local @!p0 [hbm:s0], s1  }
0x139: {  	s0 =	simm.s32 @!p0 $0x2  }
0x13a: {  	_ =	swait.ge @!p0 [sflag:s0], s1  }
0x13b: {  	s1 =	ssub.s32 @!p0 $0x0, s1;
	[sflag:s0] =	ssyncset.done @!p0 $0x0  }
0x13c: {  	[sflag:s0] =	ssyncadd.s32 @!p0 s1  }
0x13d: {  	[bflag:$0x3] =	sbarrier.arrive $0xFFFF  }
0x13e: {  	_ =	shalt  }

</sc_bundles>
